<compile_context>
chip_gen: v7x
topology: tpu7x:2x2x1
jax: 0.10.2.dev20260603
libtpu: 0.0.44.dev20260713+nightly
codegen_flags: <defaults>
</compile_context>

<pallas_src>
import functools

import jax
import jax.numpy as jnp
from jax import lax
from jax.experimental import pallas as pl
from jax.experimental.pallas import tpu as pltpu
from jax.experimental.pallas import tpu_sc as plsc

B = 50000
D = 3072
N = 1024
NC, NS, L = 2, 16, 16
NW = NC * NS
R = 1568
LAST_R = B - (NW - 1) * R
NCHUNK = N // L
CAP = N + L
G = 8
_MESH = plsc.VectorSubcoreMesh(core_axis_name="c", subcore_axis_name="s")
_PARAMS = pltpu.CompilerParams(needs_layout_passes=False)


def _route_body(memy, memt, yin, tin, inds, outy, outt, jl_out, dl2_out,
                cnt_out, inds_v, table, s16, jlist, dlist, dlist2, cntbuf,
                yall, tall, yrange, trange):
    sid = lax.axis_index("s")
    wid = sid * NC + lax.axis_index("c")
    lo = wid * R
    is_last = wid == NW - 1
    iota = lax.iota(jnp.int32, L)

    pltpu.sync_copy(inds, inds_v)
    pltpu.sync_copy(yin, yall)
    pltpu.sync_copy(tin, tall)

    @pl.when(jnp.logical_not(is_last))
    def _():
        pltpu.sync_copy(memy.at[pl.ds(lo, R)], yrange.at[pl.ds(0, R)])
        pltpu.sync_copy(memt.at[pl.ds(lo, R)], trange.at[pl.ds(0, R)])

    @pl.when(is_last)
    def _():
        pltpu.sync_copy(memy.at[pl.ds(lo, LAST_R)], yrange.at[pl.ds(0, LAST_R)])
        pltpu.sync_copy(memt.at[pl.ds(lo, LAST_R)], trange.at[pl.ds(0, LAST_R)])

    def init_tab(i, _):
        table[pl.ds(i * L, L)] = jnp.full((L,), -1, jnp.int32)
        return 0
    lax.fori_loop(0, R // L, init_tab, 0)

    def pass_a(c, _):
        iv = inds_v[pl.ds(c * L, L)]
        jv = iota + c * L
        s16[...] = iv
        dup = jnp.zeros((L,), jnp.int32)
        for s in range(1, L):
            nxt = plsc.load_gather(s16, [jnp.minimum(iota + s, L - 1)])
            valid = (iota + s) <= (L - 1)
            dup = jnp.where(jnp.logical_and(valid, nxt == iv), 1, dup)
        winlane = dup == 0
        local = iv - lo
        inr = jnp.logical_and(local >= 0, local < R)
        localc = jnp.clip(local, 0, R - 1)
        plsc.store_scatter(table, [localc], jv,
                           mask=jnp.logical_and(winlane, inr))
        return 0
    lax.fori_loop(0, NCHUNK, pass_a, 0)

    def pass_b(c, cnt):
        iv = inds_v[pl.ds(c * L, L)]
        jv = iota + c * L
        local = iv - lo
        inr = jnp.logical_and(local >= 0, local < R)
        localc = jnp.clip(local, 0, R - 1)
        tv = plsc.load_gather(table, [localc])
        win = jnp.logical_and(inr, tv == jv)
        wc = plsc.cumsum(win.astype(jnp.int32))
        pos = jnp.clip(cnt + wc - 1, 0, CAP - 1)
        plsc.store_scatter(jlist, [pos], jv, mask=win)
        plsc.store_scatter(dlist, [pos], iv, mask=win)
        plsc.store_scatter(dlist2, [pos // G, pos - (pos // G) * G], iv,
                           mask=win)
        return cnt + jnp.max(wc)
    cnt = lax.fori_loop(0, NCHUNK, pass_b, jnp.int32(0))

    lastp = jnp.full((L,), jnp.clip(cnt - 1, 0, CAP - 1), jnp.int32)
    jlast = plsc.load_gather(jlist, [lastp])
    dlast = plsc.load_gather(dlist, [lastp])
    padp = jnp.clip(cnt + iota, 0, CAP - 1)
    plsc.store_scatter(jlist, [padp], jlast)
    plsc.store_scatter(dlist, [padp], dlast)
    plsc.store_scatter(dlist2, [padp // G, padp - (padp // G) * G], dlast)

    cntbuf[...] = jnp.full((L,), cnt, jnp.int32)
    pltpu.sync_copy(jlist, jl_out.at[wid])
    pltpu.sync_copy(dlist2, dl2_out.at[wid])
    pltpu.sync_copy(cntbuf, cnt_out.at[wid])

    nch16 = (cnt + L - 1) // L

    def yt_chunk(i, _):
        jv = jlist[pl.ds(i * L, L)]
        dv = dlist[pl.ds(i * L, L)]
        ldv = dv - lo
        plsc.store_scatter(yrange, [ldv], plsc.load_gather(yall, [jv]))
        plsc.store_scatter(trange, [ldv], plsc.load_gather(tall, [jv]))
        return 0
    lax.fori_loop(0, nch16, yt_chunk, 0)

    @pl.when(jnp.logical_not(is_last))
    def _():
        pltpu.sync_copy(yrange.at[pl.ds(0, R)], outy.at[pl.ds(lo, R)])
        pltpu.sync_copy(trange.at[pl.ds(0, R)], outt.at[pl.ds(lo, R)])

    @pl.when(is_last)
    def _():
        pltpu.sync_copy(yrange.at[pl.ds(0, LAST_R)], outy.at[pl.ds(lo, LAST_R)])
        pltpu.sync_copy(trange.at[pl.ds(0, LAST_R)], outt.at[pl.ds(lo, LAST_R)])


_route_call = functools.partial(
    pl.kernel,
    out_type=(
        jax.ShapeDtypeStruct((B,), jnp.float32),
        jax.ShapeDtypeStruct((B,), jnp.int32),
        jax.ShapeDtypeStruct((NW, CAP), jnp.int32),
        jax.ShapeDtypeStruct((NW, CAP // G, G), jnp.int32),
        jax.ShapeDtypeStruct((NW, L), jnp.int32),
    ),
    mesh=_MESH,
    compiler_params=_PARAMS,
    scratch_types=[
        pltpu.VMEM((N,), jnp.int32),
        pltpu.VMEM((R,), jnp.int32),
        pltpu.VMEM((L,), jnp.int32),
        pltpu.VMEM((CAP,), jnp.int32),
        pltpu.VMEM((CAP,), jnp.int32),
        pltpu.VMEM((CAP // G, G), jnp.int32),
        pltpu.VMEM((L,), jnp.int32),
        pltpu.VMEM((N,), jnp.float32),
        pltpu.VMEM((N,), jnp.int32),
        pltpu.VMEM((R,), jnp.float32),
        pltpu.VMEM((R,), jnp.int32),
    ],
)(_route_body)


def _scatter_body(Xin, jl_in, dl2_in, cnt_in, outX,
                  jlist, dlist2, cntbuf, ubuf0, ubuf1,
                  gsem0, gsem1, ssem0, ssem1):
    sid = lax.axis_index("s")
    wid = sid * NC + lax.axis_index("c")

    pltpu.sync_copy(jl_in.at[wid], jlist)
    pltpu.sync_copy(dl2_in.at[wid], dlist2)
    pltpu.sync_copy(cnt_in.at[wid], cntbuf)
    cnt = jnp.max(cntbuf[...])

    nchu = (cnt + G - 1) // G

    @pl.when(nchu > 0)
    def _():
        pltpu.async_copy(Xin.at[jlist.at[pl.ds(0, G)]], ubuf0, gsem0)

    @pl.when(nchu > 1)
    def _():
        pltpu.async_copy(Xin.at[jlist.at[pl.ds(G, G)]], ubuf1, gsem1)

    def update_chunk(i, _):
        def turn(buf, gsem, ssem):
            pltpu.make_async_copy(Xin.at[jlist.at[pl.ds(i * G, G)]],
                                  buf, gsem).wait()
            pltpu.async_copy(buf, outX.at[dlist2.at[i]], ssem)
            pltpu.make_async_copy(buf, outX.at[dlist2.at[i]], ssem).wait()

            @pl.when(i + 2 < nchu)
            def _():
                pltpu.async_copy(Xin.at[jlist.at[pl.ds((i + 2) * G, G)]],
                                 buf, gsem)

        @pl.when(i % 2 == 0)
        def _():
            turn(ubuf0, gsem0, ssem0)

        @pl.when(i % 2 == 1)
        def _():
            turn(ubuf1, gsem1, ssem1)

        return 0
    lax.fori_loop(0, nchu, update_chunk, 0)


_scatter_call = functools.partial(
    pl.kernel,
    out_type=(),
    mesh=_MESH,
    compiler_params=_PARAMS,
    scratch_types=[
        pltpu.VMEM((CAP,), jnp.int32),
        pltpu.VMEM((CAP // G, G), jnp.int32),
        pltpu.VMEM((L,), jnp.int32),
        pltpu.VMEM((G, D), jnp.float32),
        pltpu.VMEM((G, D), jnp.float32),
        pltpu.SemaphoreType.DMA,
        pltpu.SemaphoreType.DMA,
        pltpu.SemaphoreType.DMA,
        pltpu.SemaphoreType.DMA,
    ],
)(_scatter_body)


def kernel(mem_X, mem_y, mem_task_ids, X, y, task_ids, inds):
    out_y, out_t, jl, dl2, cnts = _route_call(
        mem_y, mem_task_ids, y, task_ids.astype(jnp.int32),
        inds.astype(jnp.int32))
    xref = jax.new_ref(mem_X.reshape(B, D))
    _scatter_call(X.reshape(N, D), jl, dl2, cnts, xref)
    out_X = jax.freeze(xref)
    return (out_X.reshape(mem_X.shape), out_y, out_t)

# --- scband reference (transcript-rebuilt; emitter-appended) ---
"""Pipeline reference for scband-list-buffer-19275813224587 (READ-ONLY COPY).

The authoritative reference and input builder live on the scoring server;
editing this copy changes nothing except your own understanding.
"""

import jax, jax.numpy as jnp
import numpy as np

BUFFER_SIZE = 50000
IMG_SIZE = (3, 32, 32)
BATCH = 1024


def setup_inputs(seed: int = 0) -> dict:
    key = jax.random.key(seed)
    k1, k2, k3, k4 = jax.random.split(key, 4)
    return {
        "mem_X": jnp.zeros((BUFFER_SIZE,) + IMG_SIZE, dtype=jnp.float32),
        "mem_y": jnp.zeros((BUFFER_SIZE,), dtype=jnp.float32),
        "mem_task_ids": jnp.zeros((BUFFER_SIZE,), dtype=jnp.int32),
        "X": jax.random.normal(k1, (BATCH,) + IMG_SIZE, dtype=jnp.float32),
        "y": jax.random.normal(k2, (BATCH,), dtype=jnp.float32),
        "task_ids": jax.random.randint(k3, (BATCH,), 0, 10, dtype=jnp.int64) if jax.config.jax_enable_x64 else jax.random.randint(k3, (BATCH,), 0, 10).astype(jnp.int32),
        "inds": jax.random.randint(k4, (BATCH,), 0, BUFFER_SIZE).astype(jnp.int32),
    }


def reference(mem_X, mem_y, mem_task_ids, X, y, task_ids, inds):
    # Faithful translation of ListBuffer._maybe_replace_in_buffer's core scatter
    # (reservoir replacement), with replacement indices `inds` passed in as an
    # explicit input instead of sampled internally, so the op is deterministic:
    #   self.X[inds] = X; self.y[inds] = y; self.task_ids[inds] = task_ids
    new_X = mem_X.at[inds].set(X)
    new_y = mem_y.at[inds].set(y)
    new_task_ids = mem_task_ids.at[inds].set(task_ids.astype(mem_task_ids.dtype))
    return (new_X, new_y, new_task_ids)

if __name__ == "__main__":
    import jax
    _d = setup_inputs()
    print(jax.jit(kernel)(*tuple(_d.values())))

</pallas_src>

<mosaic_0001>
#map = affine_map<(d0, d1) -> (0, 0)>
#map1 = affine_map<(d0, d1) -> (0, 0, 0)>
module attributes {stable_mosaic.version = 14 : i64} {
  func.func @new_body(%arg0: i32, %arg1: i32, %arg2: memref<1024x3072xf32, #tpu.memory_space<hbm>>, %arg3: memref<32x1040xi32, #tpu.memory_space<hbm>>, %arg4: memref<32x130x8xi32, #tpu.memory_space<hbm>>, %arg5: memref<32x16xi32, #tpu.memory_space<hbm>>, %arg6: memref<50000x3072xf32, #tpu.memory_space<hbm>>, %arg7: memref<50000x3072xf32, #tpu.memory_space<hbm>>, %arg8: memref<1040xi32, #tpu.memory_space<vmem>>, %arg9: memref<130x8xi32, #tpu.memory_space<vmem>>, %arg10: memref<16xi32, #tpu.memory_space<vmem>>, %arg11: memref<8x3072xf32, #tpu.memory_space<vmem>>, %arg12: memref<8x3072xf32, #tpu.memory_space<vmem>>, %arg13: memref<!tpu.dma_semaphore, #tpu.memory_space<semaphore_mem>>, %arg14: memref<!tpu.dma_semaphore, #tpu.memory_space<semaphore_mem>>, %arg15: memref<!tpu.dma_semaphore, #tpu.memory_space<semaphore_mem>>, %arg16: memref<!tpu.dma_semaphore, #tpu.memory_space<semaphore_mem>>) attributes {dimension_semantics = [#tpu.dimension_semantics<core_parallel>, #tpu.dimension_semantics<subcore_parallel>], iteration_bounds = array<i64: 2, 16>, scalar_prefetch = 0 : i64, scratch_operands = 9 : i64, tpu.core_type = #tpu.core_type<sc_vector_subcore>, window_params = [{transform_indices = #map}, {transform_indices = #map}, {transform_indices = #map1}, {transform_indices = #map}, {transform_indices = #map}, {transform_indices = #map}]} {
    %mul3A = arith.constant 2 : i32
    %mul3A_0 = arith.muli %arg1, %mul3A : i32
    %add3A = arith.addi %mul3A_0, %arg0 : i32
    "tpu.region"() ({
      %run_scoped3A = tpu.sem_alloc : memref<!tpu.dma_semaphore, #tpu.memory_space<semaphore_mem>>
      %dma_start3A = arith.constant 0 : i32
      %dma_start3A_47 = tpu.memref_slice %arg3[%add3A, %dma_start3A] : memref<32x1040xi32, #tpu.memory_space<hbm>> -> memref<1x1040xi32, #tpu.memory_space<hbm>>
      %dma_start3A_48 = tpu.memref_squeeze %dma_start3A_47 : memref<1x1040xi32, #tpu.memory_space<hbm>> -> memref<1040xi32, #tpu.memory_space<hbm>>
      %dma_start3A_49 = arith.constant 0 : i32
      %dma_start3A_50 = tpu.memref_slice %arg3[%add3A, %dma_start3A_49] : memref<32x1040xi32, #tpu.memory_space<hbm>> -> memref<1x1040xi32, #tpu.memory_space<hbm>>
      %dma_start3A_51 = tpu.memref_squeeze %dma_start3A_50 : memref<1x1040xi32, #tpu.memory_space<hbm>> -> memref<1040xi32, #tpu.memory_space<hbm>>
      tpu.enqueue_dma source(%dma_start3A_51 : memref<1040xi32, #tpu.memory_space<hbm>>) target(%arg8 : memref<1040xi32, #tpu.memory_space<vmem>>) target_semaphore(%run_scoped3A : memref<!tpu.dma_semaphore, #tpu.memory_space<semaphore_mem>>)
      %dma_wait3A = arith.constant 0 : i32
      %dma_wait3A_52 = tpu.memref_slice %arg3[%add3A, %dma_wait3A] : memref<32x1040xi32, #tpu.memory_space<hbm>> -> memref<1x1040xi32, #tpu.memory_space<hbm>>
      %dma_wait3A_53 = tpu.memref_squeeze %dma_wait3A_52 : memref<1x1040xi32, #tpu.memory_space<hbm>> -> memref<1040xi32, #tpu.memory_space<hbm>>
      %dma_wait3A_54 = arith.constant 0 : i32
      %dma_wait3A_55 = tpu.memref_slice %arg3[%add3A, %dma_wait3A_54] : memref<32x1040xi32, #tpu.memory_space<hbm>> -> memref<1x1040xi32, #tpu.memory_space<hbm>>
      %dma_wait3A_56 = tpu.memref_squeeze %dma_wait3A_55 : memref<1x1040xi32, #tpu.memory_space<hbm>> -> memref<1040xi32, #tpu.memory_space<hbm>>
      tpu.wait_dma2 semaphore(%run_scoped3A : memref<!tpu.dma_semaphore, #tpu.memory_space<semaphore_mem>>) src(%dma_wait3A_56 : memref<1040xi32, #tpu.memory_space<hbm>>) dst(%arg8 : memref<1040xi32, #tpu.memory_space<vmem>>)
      tpu.yield
    }) : () -> ()
    "tpu.region"() ({
      %run_scoped3A = tpu.sem_alloc : memref<!tpu.dma_semaphore, #tpu.memory_space<semaphore_mem>>
      %dma_start3A = arith.constant 0 : i32
      %dma_start3A_47 = arith.constant 0 : i32
      %dma_start3A_48 = tpu.memref_slice %arg4[%add3A, %dma_start3A, %dma_start3A_47] : memref<32x130x8xi32, #tpu.memory_space<hbm>> -> memref<1x130x8xi32, #tpu.memory_space<hbm>>
      %dma_start3A_49 = tpu.memref_squeeze %dma_start3A_48 : memref<1x130x8xi32, #tpu.memory_space<hbm>> -> memref<130x8xi32, #tpu.memory_space<hbm>>
      %dma_start3A_50 = arith.constant 0 : i32
      %dma_start3A_51 = arith.constant 0 : i32
      %dma_start3A_52 = tpu.memref_slice %arg4[%add3A, %dma_start3A_50, %dma_start3A_51] : memref<32x130x8xi32, #tpu.memory_space<hbm>> -> memref<1x130x8xi32, #tpu.memory_space<hbm>>
      %dma_start3A_53 = tpu.memref_squeeze %dma_start3A_52 : memref<1x130x8xi32, #tpu.memory_space<hbm>> -> memref<130x8xi32, #tpu.memory_space<hbm>>
      tpu.enqueue_dma source(%dma_start3A_53 : memref<130x8xi32, #tpu.memory_space<hbm>>) target(%arg9 : memref<130x8xi32, #tpu.memory_space<vmem>>) target_semaphore(%run_scoped3A : memref<!tpu.dma_semaphore, #tpu.memory_space<semaphore_mem>>)
      %dma_wait3A = arith.constant 0 : i32
      %dma_wait3A_54 = arith.constant 0 : i32
      %dma_wait3A_55 = tpu.memref_slice %arg4[%add3A, %dma_wait3A, %dma_wait3A_54] : memref<32x130x8xi32, #tpu.memory_space<hbm>> -> memref<1x130x8xi32, #tpu.memory_space<hbm>>
      %dma_wait3A_56 = tpu.memref_squeeze %dma_wait3A_55 : memref<1x130x8xi32, #tpu.memory_space<hbm>> -> memref<130x8xi32, #tpu.memory_space<hbm>>
      %dma_wait3A_57 = arith.constant 0 : i32
      %dma_wait3A_58 = arith.constant 0 : i32
      %dma_wait3A_59 = tpu.memref_slice %arg4[%add3A, %dma_wait3A_57, %dma_wait3A_58] : memref<32x130x8xi32, #tpu.memory_space<hbm>> -> memref<1x130x8xi32, #tpu.memory_space<hbm>>
      %dma_wait3A_60 = tpu.memref_squeeze %dma_wait3A_59 : memref<1x130x8xi32, #tpu.memory_space<hbm>> -> memref<130x8xi32, #tpu.memory_space<hbm>>
      tpu.wait_dma2 semaphore(%run_scoped3A : memref<!tpu.dma_semaphore, #tpu.memory_space<semaphore_mem>>) src(%dma_wait3A_60 : memref<130x8xi32, #tpu.memory_space<hbm>>) dst(%arg9 : memref<130x8xi32, #tpu.memory_space<vmem>>)
      tpu.yield
    }) : () -> ()
    "tpu.region"() ({
      %run_scoped3A = tpu.sem_alloc : memref<!tpu.dma_semaphore, #tpu.memory_space<semaphore_mem>>
      %dma_start3A = arith.constant 0 : i32
      %dma_start3A_47 = tpu.memref_slice %arg5[%add3A, %dma_start3A] : memref<32x16xi32, #tpu.memory_space<hbm>> -> memref<1x16xi32, #tpu.memory_space<hbm>>
      %dma_start3A_48 = tpu.memref_squeeze %dma_start3A_47 : memref<1x16xi32, #tpu.memory_space<hbm>> -> memref<16xi32, #tpu.memory_space<hbm>>
      %dma_start3A_49 = arith.constant 0 : i32
      %dma_start3A_50 = tpu.memref_slice %arg5[%add3A, %dma_start3A_49] : memref<32x16xi32, #tpu.memory_space<hbm>> -> memref<1x16xi32, #tpu.memory_space<hbm>>
      %dma_start3A_51 = tpu.memref_squeeze %dma_start3A_50 : memref<1x16xi32, #tpu.memory_space<hbm>> -> memref<16xi32, #tpu.memory_space<hbm>>
      tpu.enqueue_dma source(%dma_start3A_51 : memref<16xi32, #tpu.memory_space<hbm>>) target(%arg10 : memref<16xi32, #tpu.memory_space<vmem>>) target_semaphore(%run_scoped3A : memref<!tpu.dma_semaphore, #tpu.memory_space<semaphore_mem>>)
      %dma_wait3A = arith.constant 0 : i32
      %dma_wait3A_52 = tpu.memref_slice %arg5[%add3A, %dma_wait3A] : memref<32x16xi32, #tpu.memory_space<hbm>> -> memref<1x16xi32, #tpu.memory_space<hbm>>
      %dma_wait3A_53 = tpu.memref_squeeze %dma_wait3A_52 : memref<1x16xi32, #tpu.memory_space<hbm>> -> memref<16xi32, #tpu.memory_space<hbm>>
      %dma_wait3A_54 = arith.constant 0 : i32
      %dma_wait3A_55 = tpu.memref_slice %arg5[%add3A, %dma_wait3A_54] : memref<32x16xi32, #tpu.memory_space<hbm>> -> memref<1x16xi32, #tpu.memory_space<hbm>>
      %dma_wait3A_56 = tpu.memref_squeeze %dma_wait3A_55 : memref<1x16xi32, #tpu.memory_space<hbm>> -> memref<16xi32, #tpu.memory_space<hbm>>
      tpu.wait_dma2 semaphore(%run_scoped3A : memref<!tpu.dma_semaphore, #tpu.memory_space<semaphore_mem>>) src(%dma_wait3A_56 : memref<16xi32, #tpu.memory_space<hbm>>) dst(%arg10 : memref<16xi32, #tpu.memory_space<vmem>>)
      tpu.yield
    }) : () -> ()
    %get3A = arith.constant 0 : index
    %get3A_1 = tpu.vector_load %arg10[%get3A] {strides = array<i32>} : memref<16xi32, #tpu.memory_space<vmem>>, vector<16xi32>,
    %reduce_max3A = arith.constant true
    %reduce_max3A_2 = vector.broadcast %reduce_max3A : i1 to vector<16xi1>
    %reduce_max3A_3 = arith.constant -2147483648 : i32
    %reduce_max3A_4 = vector.broadcast %reduce_max3A_3 : i32 to vector<16xi32>
    %reduce_max3A_5 = arith.xori %get3A_1, %reduce_max3A_4 : vector<16xi32>
    %reduce_max3A_6 = tpu.scan <max>, %reduce_max3A_5 masked %reduce_max3A_2 : vector<16xi32>, vector<16xi1> -> vector<16xi32>
    %reduce_max3A_7 = arith.xori %reduce_max3A_6, %reduce_max3A_4 : vector<16xi32>
    %reduce_max3A_8 = vector.extract %reduce_max3A_7[15] : i32 from vector<16xi32>
    %add3A_9 = arith.constant 8 : i32
    %add3A_10 = arith.addi %reduce_max3A_8, %add3A_9 : i32
    %sub3A = arith.constant 1 : i32
    %sub3A_11 = arith.subi %add3A_10, %sub3A : i32
    %jit3A = arith.constant 8 : i32
    %div3A = arith.divsi %sub3A_11, %jit3A : i32
    %sign3A = arith.constant 0 : i32
    %sign3A_12 = arith.cmpi sgt, %sub3A_11, %sign3A : i32
    %sign3A_13 = arith.extui %sign3A_12 : i1 to i32
    %sign3A_14 = arith.constant 0 : i32
    %sign3A_15 = arith.cmpi slt, %sub3A_11, %sign3A_14 : i32
    %sign3A_16 = arith.extui %sign3A_15 : i1 to i32
    %sign3A_17 = arith.subi %sign3A_13, %sign3A_16 : i32
    %sign3A_18 = arith.constant 0 : i32
    %sign3A_19 = arith.cmpi sgt, %jit3A, %sign3A_18 : i32
    %sign3A_20 = arith.extui %sign3A_19 : i1 to i32
    %sign3A_21 = arith.constant 0 : i32
    %sign3A_22 = arith.cmpi slt, %jit3A, %sign3A_21 : i32
    %sign3A_23 = arith.extui %sign3A_22 : i1 to i32
    %sign3A_24 = arith.subi %sign3A_20, %sign3A_23 : i32
    %ne3A = arith.cmpi ne, %sign3A_17, %sign3A_24 : i32
    %rem3A = arith.remsi %sub3A_11, %jit3A : i32
    %ne3A_25 = arith.constant 0 : i32
    %ne3A_26 = arith.cmpi ne, %rem3A, %ne3A_25 : i32
    %and3A = arith.andi %ne3A, %ne3A_26 : i1
    %sub3A_27 = arith.constant 1 : i32
    %sub3A_28 = arith.subi %div3A, %sub3A_27 : i32
    %select_n3A = arith.select %and3A, %sub3A_28, %div3A : i32
    %gt3A = arith.constant 0 : i32
    %gt3A_29 = arith.cmpi sgt, %select_n3A, %gt3A : i32
    %convert_element_type3A = arith.extui %gt3A_29 : i1 to i32
    %cond3A = arith.constant 0 : i32
    %cond3A_30 = arith.cmpi ne, %convert_element_type3A, %cond3A : i32
    scf.if %cond3A_30 {
      %dma_start3A = arith.constant 0 : i32
      %dma_start3A_47 = tpu.memref_slice %arg8[%dma_start3A] : memref<1040xi32, #tpu.memory_space<vmem>> -> memref<8xi32, #tpu.memory_space<vmem>>
      %dma_start3A_48 = arith.constant 0 : i32
      %dma_start3A_49 = arith.constant 0 : i32
      %dma_start3A_50 = tpu.memref_slice %arg2[%dma_start3A_48, %dma_start3A_49] : memref<1024x3072xf32, #tpu.memory_space<hbm>> -> memref<1024x3072xf32, #tpu.memory_space<hbm>>
      tpu.enqueue_indirect_dma source(%dma_start3A_50 : memref<1024x3072xf32, #tpu.memory_space<hbm>>) target(%arg11 : memref<8x3072xf32, #tpu.memory_space<vmem>>) offsets(%dma_start3A_47 : memref<8xi32, #tpu.memory_space<vmem>>) semaphore(%arg13 : memref<!tpu.dma_semaphore, #tpu.memory_space<semaphore_mem>>)
    } else {
    }
    %gt3A_31 = arith.constant 1 : i32
    %gt3A_32 = arith.cmpi sgt, %select_n3A, %gt3A_31 : i32
    %convert_element_type3A_33 = arith.extui %gt3A_32 : i1 to i32
    %cond3A_34 = arith.constant 0 : i32
    %cond3A_35 = arith.cmpi ne, %convert_element_type3A_33, %cond3A_34 : i32
    scf.if %cond3A_35 {
      %dma_start3A = arith.constant 8 : i32
      %dma_start3A_47 = tpu.memref_slice %arg8[%dma_start3A] : memref<1040xi32, #tpu.memory_space<vmem>> -> memref<8xi32, #tpu.memory_space<vmem>>
      %dma_start3A_48 = arith.constant 0 : i32
      %dma_start3A_49 = arith.constant 0 : i32
      %dma_start3A_50 = tpu.memref_slice %arg2[%dma_start3A_48, %dma_start3A_49] : memref<1024x3072xf32, #tpu.memory_space<hbm>> -> memref<1024x3072xf32, #tpu.memory_space<hbm>>
      tpu.enqueue_indirect_dma source(%dma_start3A_50 : memref<1024x3072xf32, #tpu.memory_space<hbm>>) target(%arg12 : memref<8x3072xf32, #tpu.memory_space<vmem>>) offsets(%dma_start3A_47 : memref<8xi32, #tpu.memory_space<vmem>>) semaphore(%arg14 : memref<!tpu.dma_semaphore, #tpu.memory_space<semaphore_mem>>)
    } else {
    }
    %while3A = arith.constant 0 : i32
    %while3A_36 = arith.constant 0 : i32
    %while3A_37 = arith.subi %select_n3A, %while3A : i32
    %while3A_38 = arith.addi %while3A, %while3A_37 : i32
    %while3A_39 = arith.constant 1 : i32
    %while3A_40 = arith.divsi %while3A_37, %while3A_39 : i32
    %while3A_41 = arith.muli %while3A_40, %while3A_39 : i32
    %while3A_42 = arith.addi %while3A, %while3A_41 : i32
    %while3A_43 = arith.constant 1 : i32
    %while3A_44 = scf.for %while3A_47 = %while3A to %while3A_42 step %while3A_43 iter_args(%while3A_48 = %while3A_36) -> (i32)  : i32 {
      %jit3A_49 = arith.constant 2 : i32
      %eq3A = arith.constant 0 : i32
      %eq3A_50 = arith.cmpi eq, %jit3A_49, %eq3A : i32
      %jit3A_51 = arith.constant 1 : i32
      %select_n3A_52 = arith.select %eq3A_50, %jit3A_51, %jit3A_49 : i32
      %rem3A_53 = arith.remsi %while3A_47, %select_n3A_52 : i32
      %ne3A_54 = arith.constant 0 : i32
      %ne3A_55 = arith.cmpi ne, %rem3A_53, %ne3A_54 : i32
      %lt3A = arith.constant 0 : i32
      %lt3A_56 = arith.cmpi slt, %rem3A_53, %lt3A : i32
      %lt3A_57 = arith.constant 0 : i32
      %lt3A_58 = arith.cmpi slt, %select_n3A_52, %lt3A_57 : i32
      %ne3A_59 = arith.xori %lt3A_56, %lt3A_58 : i1
      %and3A_60 = arith.andi %ne3A_59, %ne3A_55 : i1
      %add3A_61 = arith.addi %rem3A_53, %select_n3A_52 : i32
      %select_n3A_62 = arith.select %and3A_60, %add3A_61, %rem3A_53 : i32
      %eq3A_63 = arith.constant 0 : i32
      %eq3A_64 = arith.cmpi eq, %select_n3A_62, %eq3A_63 : i32
      %convert_element_type3A_65 = arith.extui %eq3A_64 : i1 to i32
      %cond3A_66 = arith.constant 0 : i32
      %cond3A_67 = arith.cmpi ne, %convert_element_type3A_65, %cond3A_66 : i32
      scf.if %cond3A_67 {
        %mul3A_90 = arith.constant 8 : i32
        %mul3A_91 = arith.muli %while3A_47, %mul3A_90 : i32
        %dma_wait3A = tpu.memref_slice %arg8[%mul3A_91] : memref<1040xi32, #tpu.memory_space<vmem>> -> memref<8xi32, #tpu.memory_space<vmem>>
        %dma_wait3A_92 = arith.constant 0 : i32
        %dma_wait3A_93 = arith.constant 0 : i32
        %dma_wait3A_94 = tpu.memref_slice %arg2[%dma_wait3A_92, %dma_wait3A_93] : memref<1024x3072xf32, #tpu.memory_space<hbm>> -> memref<1024x3072xf32, #tpu.memory_space<hbm>>
        tpu.wait_indirect_dma semaphore(%arg13 : memref<!tpu.dma_semaphore, #tpu.memory_space<semaphore_mem>>) src(%dma_wait3A_94 : memref<1024x3072xf32, #tpu.memory_space<hbm>>) dst(%arg11 : memref<8x3072xf32, #tpu.memory_space<vmem>>)
        %dma_start3A = arith.constant 0 : i32
        %dma_start3A_95 = tpu.memref_slice %arg9[%while3A_47, %dma_start3A] : memref<130x8xi32, #tpu.memory_space<vmem>> -> memref<1x8xi32, #tpu.memory_space<vmem>>
        %dma_start3A_96 = tpu.memref_squeeze %dma_start3A_95 : memref<1x8xi32, #tpu.memory_space<vmem>> -> memref<8xi32, #tpu.memory_space<vmem>>
        %dma_start3A_97 = arith.constant 0 : i32
        %dma_start3A_98 = arith.constant 0 : i32
        %dma_start3A_99 = tpu.memref_slice %arg6[%dma_start3A_97, %dma_start3A_98] : memref<50000x3072xf32, #tpu.memory_space<hbm>> -> memref<50000x3072xf32, #tpu.memory_space<hbm>>
        tpu.enqueue_indirect_dma source(%arg11 : memref<8x3072xf32, #tpu.memory_space<vmem>>) target(%dma_start3A_99 : memref<50000x3072xf32, #tpu.memory_space<hbm>>) offsets(%dma_start3A_96 : memref<8xi32, #tpu.memory_space<vmem>>) semaphore(%arg15 : memref<!tpu.dma_semaphore, #tpu.memory_space<semaphore_mem>>)
        %dma_wait3A_100 = arith.constant 0 : i32
        %dma_wait3A_101 = tpu.memref_slice %arg9[%while3A_47, %dma_wait3A_100] : memref<130x8xi32, #tpu.memory_space<vmem>> -> memref<1x8xi32, #tpu.memory_space<vmem>>
        %dma_wait3A_102 = tpu.memref_squeeze %dma_wait3A_101 : memref<1x8xi32, #tpu.memory_space<vmem>> -> memref<8xi32, #tpu.memory_space<vmem>>
        %dma_wait3A_103 = arith.constant 0 : i32
        %dma_wait3A_104 = arith.constant 0 : i32
        %dma_wait3A_105 = tpu.memref_slice %arg6[%dma_wait3A_103, %dma_wait3A_104] : memref<50000x3072xf32, #tpu.memory_space<hbm>> -> memref<50000x3072xf32, #tpu.memory_space<hbm>>
        tpu.wait_indirect_dma semaphore(%arg15 : memref<!tpu.dma_semaphore, #tpu.memory_space<semaphore_mem>>) src(%arg11 : memref<8x3072xf32, #tpu.memory_space<vmem>>) dst(%dma_wait3A_105 : memref<50000x3072xf32, #tpu.memory_space<hbm>>)
        %add3A_106 = arith.constant 2 : i32
        %add3A_107 = arith.addi %while3A_47, %add3A_106 : i32
        %lt3A_108 = arith.cmpi slt, %add3A_107, %select_n3A : i32
        %convert_element_type3A_109 = arith.extui %lt3A_108 : i1 to i32
        %cond3A_110 = arith.constant 0 : i32
        %cond3A_111 = arith.cmpi ne, %convert_element_type3A_109, %cond3A_110 : i32
        scf.if %cond3A_111 {
          %add3A_112 = arith.constant 2 : i32
          %add3A_113 = arith.addi %while3A_47, %add3A_112 : i32
          %mul3A_114 = arith.constant 8 : i32
          %mul3A_115 = arith.muli %add3A_113, %mul3A_114 : i32
          %dma_start3A_116 = tpu.memref_slice %arg8[%mul3A_115] : memref<1040xi32, #tpu.memory_space<vmem>> -> memref<8xi32, #tpu.memory_space<vmem>>
          %dma_start3A_117 = arith.constant 0 : i32
          %dma_start3A_118 = arith.constant 0 : i32
          %dma_start3A_119 = tpu.memref_slice %arg2[%dma_start3A_117, %dma_start3A_118] : memref<1024x3072xf32, #tpu.memory_space<hbm>> -> memref<1024x3072xf32, #tpu.memory_space<hbm>>
          tpu.enqueue_indirect_dma source(%dma_start3A_119 : memref<1024x3072xf32, #tpu.memory_space<hbm>>) target(%arg11 : memref<8x3072xf32, #tpu.memory_space<vmem>>) offsets(%dma_start3A_116 : memref<8xi32, #tpu.memory_space<vmem>>) semaphore(%arg13 : memref<!tpu.dma_semaphore, #tpu.memory_space<semaphore_mem>>)
        } else {
        }
      } else {
      }
      %jit3A_68 = arith.constant 2 : i32
      %eq3A_69 = arith.constant 0 : i32
      %eq3A_70 = arith.cmpi eq, %jit3A_68, %eq3A_69 : i32
      %jit3A_71 = arith.constant 1 : i32
      %select_n3A_72 = arith.select %eq3A_70, %jit3A_71, %jit3A_68 : i32
      %rem3A_73 = arith.remsi %while3A_47, %select_n3A_72 : i32
      %ne3A_74 = arith.constant 0 : i32
      %ne3A_75 = arith.cmpi ne, %rem3A_73, %ne3A_74 : i32
      %lt3A_76 = arith.constant 0 : i32
      %lt3A_77 = arith.cmpi slt, %rem3A_73, %lt3A_76 : i32
      %lt3A_78 = arith.constant 0 : i32
      %lt3A_79 = arith.cmpi slt, %select_n3A_72, %lt3A_78 : i32
      %ne3A_80 = arith.xori %lt3A_77, %lt3A_79 : i1
      %and3A_81 = arith.andi %ne3A_80, %ne3A_75 : i1
      %add3A_82 = arith.addi %rem3A_73, %select_n3A_72 : i32
      %select_n3A_83 = arith.select %and3A_81, %add3A_82, %rem3A_73 : i32
      %eq3A_84 = arith.constant 1 : i32
      %eq3A_85 = arith.cmpi eq, %select_n3A_83, %eq3A_84 : i32
      %convert_element_type3A_86 = arith.extui %eq3A_85 : i1 to i32
      %cond3A_87 = arith.constant 0 : i32
      %cond3A_88 = arith.cmpi ne, %convert_element_type3A_86, %cond3A_87 : i32
      scf.if %cond3A_88 {
        %mul3A_90 = arith.constant 8 : i32
        %mul3A_91 = arith.muli %while3A_47, %mul3A_90 : i32
        %dma_wait3A = tpu.memref_slice %arg8[%mul3A_91] : memref<1040xi32, #tpu.memory_space<vmem>> -> memref<8xi32, #tpu.memory_space<vmem>>
        %dma_wait3A_92 = arith.constant 0 : i32
        %dma_wait3A_93 = arith.constant 0 : i32
        %dma_wait3A_94 = tpu.memref_slice %arg2[%dma_wait3A_92, %dma_wait3A_93] : memref<1024x3072xf32, #tpu.memory_space<hbm>> -> memref<1024x3072xf32, #tpu.memory_space<hbm>>
        tpu.wait_indirect_dma semaphore(%arg14 : memref<!tpu.dma_semaphore, #tpu.memory_space<semaphore_mem>>) src(%dma_wait3A_94 : memref<1024x3072xf32, #tpu.memory_space<hbm>>) dst(%arg12 : memref<8x3072xf32, #tpu.memory_space<vmem>>)
        %dma_start3A = arith.constant 0 : i32
        %dma_start3A_95 = tpu.memref_slice %arg9[%while3A_47, %dma_start3A] : memref<130x8xi32, #tpu.memory_space<vmem>> -> memref<1x8xi32, #tpu.memory_space<vmem>>
        %dma_start3A_96 = tpu.memref_squeeze %dma_start3A_95 : memref<1x8xi32, #tpu.memory_space<vmem>> -> memref<8xi32, #tpu.memory_space<vmem>>
        %dma_start3A_97 = arith.constant 0 : i32
        %dma_start3A_98 = arith.constant 0 : i32
        %dma_start3A_99 = tpu.memref_slice %arg6[%dma_start3A_97, %dma_start3A_98] : memref<50000x3072xf32, #tpu.memory_space<hbm>> -> memref<50000x3072xf32, #tpu.memory_space<hbm>>
        tpu.enqueue_indirect_dma source(%arg12 : memref<8x3072xf32, #tpu.memory_space<vmem>>) target(%dma_start3A_99 : memref<50000x3072xf32, #tpu.memory_space<hbm>>) offsets(%dma_start3A_96 : memref<8xi32, #tpu.memory_space<vmem>>) semaphore(%arg16 : memref<!tpu.dma_semaphore, #tpu.memory_space<semaphore_mem>>)
        %dma_wait3A_100 = arith.constant 0 : i32
        %dma_wait3A_101 = tpu.memref_slice %arg9[%while3A_47, %dma_wait3A_100] : memref<130x8xi32, #tpu.memory_space<vmem>> -> memref<1x8xi32, #tpu.memory_space<vmem>>
        %dma_wait3A_102 = tpu.memref_squeeze %dma_wait3A_101 : memref<1x8xi32, #tpu.memory_space<vmem>> -> memref<8xi32, #tpu.memory_space<vmem>>
        %dma_wait3A_103 = arith.constant 0 : i32
        %dma_wait3A_104 = arith.constant 0 : i32
        %dma_wait3A_105 = tpu.memref_slice %arg6[%dma_wait3A_103, %dma_wait3A_104] : memref<50000x3072xf32, #tpu.memory_space<hbm>> -> memref<50000x3072xf32, #tpu.memory_space<hbm>>
        tpu.wait_indirect_dma semaphore(%arg16 : memref<!tpu.dma_semaphore, #tpu.memory_space<semaphore_mem>>) src(%arg12 : memref<8x3072xf32, #tpu.memory_space<vmem>>) dst(%dma_wait3A_105 : memref<50000x3072xf32, #tpu.memory_space<hbm>>)
        %add3A_106 = arith.constant 2 : i32
        %add3A_107 = arith.addi %while3A_47, %add3A_106 : i32
        %lt3A_108 = arith.cmpi slt, %add3A_107, %select_n3A : i32
        %convert_element_type3A_109 = arith.extui %lt3A_108 : i1 to i32
        %cond3A_110 = arith.constant 0 : i32
        %cond3A_111 = arith.cmpi ne, %convert_element_type3A_109, %cond3A_110 : i32
        scf.if %cond3A_111 {
          %add3A_112 = arith.constant 2 : i32
          %add3A_113 = arith.addi %while3A_47, %add3A_112 : i32
          %mul3A_114 = arith.constant 8 : i32
          %mul3A_115 = arith.muli %add3A_113, %mul3A_114 : i32
          %dma_start3A_116 = tpu.memref_slice %arg8[%mul3A_115] : memref<1040xi32, #tpu.memory_space<vmem>> -> memref<8xi32, #tpu.memory_space<vmem>>
          %dma_start3A_117 = arith.constant 0 : i32
          %dma_start3A_118 = arith.constant 0 : i32
          %dma_start3A_119 = tpu.memref_slice %arg2[%dma_start3A_117, %dma_start3A_118] : memref<1024x3072xf32, #tpu.memory_space<hbm>> -> memref<1024x3072xf32, #tpu.memory_space<hbm>>
          tpu.enqueue_indirect_dma source(%dma_start3A_119 : memref<1024x3072xf32, #tpu.memory_space<hbm>>) target(%arg12 : memref<8x3072xf32, #tpu.memory_space<vmem>>) offsets(%dma_start3A_116 : memref<8xi32, #tpu.memory_space<vmem>>) semaphore(%arg14 : memref<!tpu.dma_semaphore, #tpu.memory_space<semaphore_mem>>)
        } else {
        }
      } else {
      }
      %while3A_89 = arith.constant 0 : i32
      scf.yield %while3A_89 : i32
    }
    %while3A_45 = arith.constant 1 : i32
    %while3A_46 = scf.for %while3A_47 = %while3A_42 to %while3A_38 step %while3A_45 iter_args(%while3A_48 = %while3A_44) -> (i32)  : i32 {
      %jit3A_49 = arith.constant 2 : i32
      %eq3A = arith.constant 0 : i32
      %eq3A_50 = arith.cmpi eq, %jit3A_49, %eq3A : i32
      %jit3A_51 = arith.constant 1 : i32
      %select_n3A_52 = arith.select %eq3A_50, %jit3A_51, %jit3A_49 : i32
      %rem3A_53 = arith.remsi %while3A_47, %select_n3A_52 : i32
      %ne3A_54 = arith.constant 0 : i32
      %ne3A_55 = arith.cmpi ne, %rem3A_53, %ne3A_54 : i32
      %lt3A = arith.constant 0 : i32
      %lt3A_56 = arith.cmpi slt, %rem3A_53, %lt3A : i32
      %lt3A_57 = arith.constant 0 : i32
      %lt3A_58 = arith.cmpi slt, %select_n3A_52, %lt3A_57 : i32
      %ne3A_59 = arith.xori %lt3A_56, %lt3A_58 : i1
      %and3A_60 = arith.andi %ne3A_59, %ne3A_55 : i1
      %add3A_61 = arith.addi %rem3A_53, %select_n3A_52 : i32
      %select_n3A_62 = arith.select %and3A_60, %add3A_61, %rem3A_53 : i32
      %eq3A_63 = arith.constant 0 : i32
      %eq3A_64 = arith.cmpi eq, %select_n3A_62, %eq3A_63 : i32
      %convert_element_type3A_65 = arith.extui %eq3A_64 : i1 to i32
      %cond3A_66 = arith.constant 0 : i32
      %cond3A_67 = arith.cmpi ne, %convert_element_type3A_65, %cond3A_66 : i32
      scf.if %cond3A_67 {
        %mul3A_90 = arith.constant 8 : i32
        %mul3A_91 = arith.muli %while3A_47, %mul3A_90 : i32
        %dma_wait3A = tpu.memref_slice %arg8[%mul3A_91] : memref<1040xi32, #tpu.memory_space<vmem>> -> memref<8xi32, #tpu.memory_space<vmem>>
        %dma_wait3A_92 = arith.constant 0 : i32
        %dma_wait3A_93 = arith.constant 0 : i32
        %dma_wait3A_94 = tpu.memref_slice %arg2[%dma_wait3A_92, %dma_wait3A_93] : memref<1024x3072xf32, #tpu.memory_space<hbm>> -> memref<1024x3072xf32, #tpu.memory_space<hbm>>
        tpu.wait_indirect_dma semaphore(%arg13 : memref<!tpu.dma_semaphore, #tpu.memory_space<semaphore_mem>>) src(%dma_wait3A_94 : memref<1024x3072xf32, #tpu.memory_space<hbm>>) dst(%arg11 : memref<8x3072xf32, #tpu.memory_space<vmem>>)
        %dma_start3A = arith.constant 0 : i32
        %dma_start3A_95 = tpu.memref_slice %arg9[%while3A_47, %dma_start3A] : memref<130x8xi32, #tpu.memory_space<vmem>> -> memref<1x8xi32, #tpu.memory_space<vmem>>
        %dma_start3A_96 = tpu.memref_squeeze %dma_start3A_95 : memref<1x8xi32, #tpu.memory_space<vmem>> -> memref<8xi32, #tpu.memory_space<vmem>>
        %dma_start3A_97 = arith.constant 0 : i32
        %dma_start3A_98 = arith.constant 0 : i32
        %dma_start3A_99 = tpu.memref_slice %arg6[%dma_start3A_97, %dma_start3A_98] : memref<50000x3072xf32, #tpu.memory_space<hbm>> -> memref<50000x3072xf32, #tpu.memory_space<hbm>>
        tpu.enqueue_indirect_dma source(%arg11 : memref<8x3072xf32, #tpu.memory_space<vmem>>) target(%dma_start3A_99 : memref<50000x3072xf32, #tpu.memory_space<hbm>>) offsets(%dma_start3A_96 : memref<8xi32, #tpu.memory_space<vmem>>) semaphore(%arg15 : memref<!tpu.dma_semaphore, #tpu.memory_space<semaphore_mem>>)
        %dma_wait3A_100 = arith.constant 0 : i32
        %dma_wait3A_101 = tpu.memref_slice %arg9[%while3A_47, %dma_wait3A_100] : memref<130x8xi32, #tpu.memory_space<vmem>> -> memref<1x8xi32, #tpu.memory_space<vmem>>
        %dma_wait3A_102 = tpu.memref_squeeze %dma_wait3A_101 : memref<1x8xi32, #tpu.memory_space<vmem>> -> memref<8xi32, #tpu.memory_space<vmem>>
        %dma_wait3A_103 = arith.constant 0 : i32
        %dma_wait3A_104 = arith.constant 0 : i32
        %dma_wait3A_105 = tpu.memref_slice %arg6[%dma_wait3A_103, %dma_wait3A_104] : memref<50000x3072xf32, #tpu.memory_space<hbm>> -> memref<50000x3072xf32, #tpu.memory_space<hbm>>
        tpu.wait_indirect_dma semaphore(%arg15 : memref<!tpu.dma_semaphore, #tpu.memory_space<semaphore_mem>>) src(%arg11 : memref<8x3072xf32, #tpu.memory_space<vmem>>) dst(%dma_wait3A_105 : memref<50000x3072xf32, #tpu.memory_space<hbm>>)
        %add3A_106 = arith.constant 2 : i32
        %add3A_107 = arith.addi %while3A_47, %add3A_106 : i32
        %lt3A_108 = arith.cmpi slt, %add3A_107, %select_n3A : i32
        %convert_element_type3A_109 = arith.extui %lt3A_108 : i1 to i32
        %cond3A_110 = arith.constant 0 : i32
        %cond3A_111 = arith.cmpi ne, %convert_element_type3A_109, %cond3A_110 : i32
        scf.if %cond3A_111 {
          %add3A_112 = arith.constant 2 : i32
          %add3A_113 = arith.addi %while3A_47, %add3A_112 : i32
          %mul3A_114 = arith.constant 8 : i32
          %mul3A_115 = arith.muli %add3A_113, %mul3A_114 : i32
          %dma_start3A_116 = tpu.memref_slice %arg8[%mul3A_115] : memref<1040xi32, #tpu.memory_space<vmem>> -> memref<8xi32, #tpu.memory_space<vmem>>
          %dma_start3A_117 = arith.constant 0 : i32
          %dma_start3A_118 = arith.constant 0 : i32
          %dma_start3A_119 = tpu.memref_slice %arg2[%dma_start3A_117, %dma_start3A_118] : memref<1024x3072xf32, #tpu.memory_space<hbm>> -> memref<1024x3072xf32, #tpu.memory_space<hbm>>
          tpu.enqueue_indirect_dma source(%dma_start3A_119 : memref<1024x3072xf32, #tpu.memory_space<hbm>>) target(%arg11 : memref<8x3072xf32, #tpu.memory_space<vmem>>) offsets(%dma_start3A_116 : memref<8xi32, #tpu.memory_space<vmem>>) semaphore(%arg13 : memref<!tpu.dma_semaphore, #tpu.memory_space<semaphore_mem>>)
        } else {
        }
      } else {
      }
      %jit3A_68 = arith.constant 2 : i32
      %eq3A_69 = arith.constant 0 : i32
      %eq3A_70 = arith.cmpi eq, %jit3A_68, %eq3A_69 : i32
      %jit3A_71 = arith.constant 1 : i32
      %select_n3A_72 = arith.select %eq3A_70, %jit3A_71, %jit3A_68 : i32
      %rem3A_73 = arith.remsi %while3A_47, %select_n3A_72 : i32
      %ne3A_74 = arith.constant 0 : i32
      %ne3A_75 = arith.cmpi ne, %rem3A_73, %ne3A_74 : i32
      %lt3A_76 = arith.constant 0 : i32
      %lt3A_77 = arith.cmpi slt, %rem3A_73, %lt3A_76 : i32
      %lt3A_78 = arith.constant 0 : i32
      %lt3A_79 = arith.cmpi slt, %select_n3A_72, %lt3A_78 : i32
      %ne3A_80 = arith.xori %lt3A_77, %lt3A_79 : i1
      %and3A_81 = arith.andi %ne3A_80, %ne3A_75 : i1
      %add3A_82 = arith.addi %rem3A_73, %select_n3A_72 : i32
      %select_n3A_83 = arith.select %and3A_81, %add3A_82, %rem3A_73 : i32
      %eq3A_84 = arith.constant 1 : i32
      %eq3A_85 = arith.cmpi eq, %select_n3A_83, %eq3A_84 : i32
      %convert_element_type3A_86 = arith.extui %eq3A_85 : i1 to i32
      %cond3A_87 = arith.constant 0 : i32
      %cond3A_88 = arith.cmpi ne, %convert_element_type3A_86, %cond3A_87 : i32
      scf.if %cond3A_88 {
        %mul3A_90 = arith.constant 8 : i32
        %mul3A_91 = arith.muli %while3A_47, %mul3A_90 : i32
        %dma_wait3A = tpu.memref_slice %arg8[%mul3A_91] : memref<1040xi32, #tpu.memory_space<vmem>> -> memref<8xi32, #tpu.memory_space<vmem>>
        %dma_wait3A_92 = arith.constant 0 : i32
        %dma_wait3A_93 = arith.constant 0 : i32
        %dma_wait3A_94 = tpu.memref_slice %arg2[%dma_wait3A_92, %dma_wait3A_93] : memref<1024x3072xf32, #tpu.memory_space<hbm>> -> memref<1024x3072xf32, #tpu.memory_space<hbm>>
        tpu.wait_indirect_dma semaphore(%arg14 : memref<!tpu.dma_semaphore, #tpu.memory_space<semaphore_mem>>) src(%dma_wait3A_94 : memref<1024x3072xf32, #tpu.memory_space<hbm>>) dst(%arg12 : memref<8x3072xf32, #tpu.memory_space<vmem>>)
        %dma_start3A = arith.constant 0 : i32
        %dma_start3A_95 = tpu.memref_slice %arg9[%while3A_47, %dma_start3A] : memref<130x8xi32, #tpu.memory_space<vmem>> -> memref<1x8xi32, #tpu.memory_space<vmem>>
        %dma_start3A_96 = tpu.memref_squeeze %dma_start3A_95 : memref<1x8xi32, #tpu.memory_space<vmem>> -> memref<8xi32, #tpu.memory_space<vmem>>
        %dma_start3A_97 = arith.constant 0 : i32
        %dma_start3A_98 = arith.constant 0 : i32
        %dma_start3A_99 = tpu.memref_slice %arg6[%dma_start3A_97, %dma_start3A_98] : memref<50000x3072xf32, #tpu.memory_space<hbm>> -> memref<50000x3072xf32, #tpu.memory_space<hbm>>
        tpu.enqueue_indirect_dma source(%arg12 : memref<8x3072xf32, #tpu.memory_space<vmem>>) target(%dma_start3A_99 : memref<50000x3072xf32, #tpu.memory_space<hbm>>) offsets(%dma_start3A_96 : memref<8xi32, #tpu.memory_space<vmem>>) semaphore(%arg16 : memref<!tpu.dma_semaphore, #tpu.memory_space<semaphore_mem>>)
        %dma_wait3A_100 = arith.constant 0 : i32
        %dma_wait3A_101 = tpu.memref_slice %arg9[%while3A_47, %dma_wait3A_100] : memref<130x8xi32, #tpu.memory_space<vmem>> -> memref<1x8xi32, #tpu.memory_space<vmem>>
        %dma_wait3A_102 = tpu.memref_squeeze %dma_wait3A_101 : memref<1x8xi32, #tpu.memory_space<vmem>> -> memref<8xi32, #tpu.memory_space<vmem>>
        %dma_wait3A_103 = arith.constant 0 : i32
        %dma_wait3A_104 = arith.constant 0 : i32
        %dma_wait3A_105 = tpu.memref_slice %arg6[%dma_wait3A_103, %dma_wait3A_104] : memref<50000x3072xf32, #tpu.memory_space<hbm>> -> memref<50000x3072xf32, #tpu.memory_space<hbm>>
        tpu.wait_indirect_dma semaphore(%arg16 : memref<!tpu.dma_semaphore, #tpu.memory_space<semaphore_mem>>) src(%arg12 : memref<8x3072xf32, #tpu.memory_space<vmem>>) dst(%dma_wait3A_105 : memref<50000x3072xf32, #tpu.memory_space<hbm>>)
        %add3A_106 = arith.constant 2 : i32
        %add3A_107 = arith.addi %while3A_47, %add3A_106 : i32
        %lt3A_108 = arith.cmpi slt, %add3A_107, %select_n3A : i32
        %convert_element_type3A_109 = arith.extui %lt3A_108 : i1 to i32
        %cond3A_110 = arith.constant 0 : i32
        %cond3A_111 = arith.cmpi ne, %convert_element_type3A_109, %cond3A_110 : i32
        scf.if %cond3A_111 {
          %add3A_112 = arith.constant 2 : i32
          %add3A_113 = arith.addi %while3A_47, %add3A_112 : i32
          %mul3A_114 = arith.constant 8 : i32
          %mul3A_115 = arith.muli %add3A_113, %mul3A_114 : i32
          %dma_start3A_116 = tpu.memref_slice %arg8[%mul3A_115] : memref<1040xi32, #tpu.memory_space<vmem>> -> memref<8xi32, #tpu.memory_space<vmem>>
          %dma_start3A_117 = arith.constant 0 : i32
          %dma_start3A_118 = arith.constant 0 : i32
          %dma_start3A_119 = tpu.memref_slice %arg2[%dma_start3A_117, %dma_start3A_118] : memref<1024x3072xf32, #tpu.memory_space<hbm>> -> memref<1024x3072xf32, #tpu.memory_space<hbm>>
          tpu.enqueue_indirect_dma source(%dma_start3A_119 : memref<1024x3072xf32, #tpu.memory_space<hbm>>) target(%arg12 : memref<8x3072xf32, #tpu.memory_space<vmem>>) offsets(%dma_start3A_116 : memref<8xi32, #tpu.memory_space<vmem>>) semaphore(%arg14 : memref<!tpu.dma_semaphore, #tpu.memory_space<semaphore_mem>>)
        } else {
        }
      } else {
      }
      %while3A_89 = arith.constant 0 : i32
      scf.yield %while3A_89 : i32
    }
    return
  }
}

#map = affine_map<(d0, d1) -> (0)>
#map1 = affine_map<(d0, d1) -> (0, 0)>
#map2 = affine_map<(d0, d1) -> (0, 0, 0)>
module attributes {stable_mosaic.version = 14 : i64} {
  func.func @_route_body(%arg0: i32, %arg1: i32, %arg2: memref<50000xf32, #tpu.memory_space<hbm>>, %arg3: memref<50000xi32, #tpu.memory_space<hbm>>, %arg4: memref<1024xf32, #tpu.memory_space<hbm>>, %arg5: memref<1024xi32, #tpu.memory_space<hbm>>, %arg6: memref<1024xi32, #tpu.memory_space<hbm>>, %arg7: memref<50000xf32, #tpu.memory_space<hbm>>, %arg8: memref<50000xi32, #tpu.memory_space<hbm>>, %arg9: memref<32x1040xi32, #tpu.memory_space<hbm>>, %arg10: memref<32x130x8xi32, #tpu.memory_space<hbm>>, %arg11: memref<32x16xi32, #tpu.memory_space<hbm>>, %arg12: memref<1024xi32, #tpu.memory_space<vmem>>, %arg13: memref<1568xi32, #tpu.memory_space<vmem>>, %arg14: memref<16xi32, #tpu.memory_space<vmem>>, %arg15: memref<1040xi32, #tpu.memory_space<vmem>>, %arg16: memref<1040xi32, #tpu.memory_space<vmem>>, %arg17: memref<130x8xi32, #tpu.memory_space<vmem>>, %arg18: memref<16xi32, #tpu.memory_space<vmem>>, %arg19: memref<1024xf32, #tpu.memory_space<vmem>>, %arg20: memref<1024xi32, #tpu.memory_space<vmem>>, %arg21: memref<1568xf32, #tpu.memory_space<vmem>>, %arg22: memref<1568xi32, #tpu.memory_space<vmem>>) attributes {dimension_semantics = [#tpu.dimension_semantics<core_parallel>, #tpu.dimension_semantics<subcore_parallel>], iteration_bounds = array<i64: 2, 16>, scalar_prefetch = 0 : i64, scratch_operands = 11 : i64, tpu.core_type = #tpu.core_type<sc_vector_subcore>, window_params = [{transform_indices = #map}, {transform_indices = #map}, {transform_indices = #map}, {transform_indices = #map}, {transform_indices = #map}, {transform_indices = #map}, {transform_indices = #map}, {transform_indices = #map1}, {transform_indices = #map2}, {transform_indices = #map1}]} {
    %mul3A = arith.constant 2 : i32
    %mul3A_0 = arith.muli %arg1, %mul3A : i32
    %add3A = arith.addi %mul3A_0, %arg0 : i32
    %mul3A_1 = arith.constant 1568 : i32
    %mul3A_2 = arith.muli %add3A, %mul3A_1 : i32
    %eq3A = arith.constant 31 : i32
    %eq3A_3 = arith.cmpi eq, %add3A, %eq3A : i32
    %iota3A = tpu.iota {dimensions = array<i32: 0>} : vector<16xi32>
    "tpu.region"() ({
      %run_scoped3A = tpu.sem_alloc : memref<!tpu.dma_semaphore, #tpu.memory_space<semaphore_mem>>
      tpu.enqueue_dma source(%arg6 : memref<1024xi32, #tpu.memory_space<hbm>>) target(%arg12 : memref<1024xi32, #tpu.memory_space<vmem>>) target_semaphore(%run_scoped3A : memref<!tpu.dma_semaphore, #tpu.memory_space<semaphore_mem>>)
      tpu.wait_dma2 semaphore(%run_scoped3A : memref<!tpu.dma_semaphore, #tpu.memory_space<semaphore_mem>>) src(%arg6 : memref<1024xi32, #tpu.memory_space<hbm>>) dst(%arg12 : memref<1024xi32, #tpu.memory_space<vmem>>)
      tpu.yield
    }) : () -> ()
    "tpu.region"() ({
      %run_scoped3A = tpu.sem_alloc : memref<!tpu.dma_semaphore, #tpu.memory_space<semaphore_mem>>
      tpu.enqueue_dma source(%arg4 : memref<1024xf32, #tpu.memory_space<hbm>>) target(%arg19 : memref<1024xf32, #tpu.memory_space<vmem>>) target_semaphore(%run_scoped3A : memref<!tpu.dma_semaphore, #tpu.memory_space<semaphore_mem>>)
      tpu.wait_dma2 semaphore(%run_scoped3A : memref<!tpu.dma_semaphore, #tpu.memory_space<semaphore_mem>>) src(%arg4 : memref<1024xf32, #tpu.memory_space<hbm>>) dst(%arg19 : memref<1024xf32, #tpu.memory_space<vmem>>)
      tpu.yield
    }) : () -> ()
    "tpu.region"() ({
      %run_scoped3A = tpu.sem_alloc : memref<!tpu.dma_semaphore, #tpu.memory_space<semaphore_mem>>
      tpu.enqueue_dma source(%arg5 : memref<1024xi32, #tpu.memory_space<hbm>>) target(%arg20 : memref<1024xi32, #tpu.memory_space<vmem>>) target_semaphore(%run_scoped3A : memref<!tpu.dma_semaphore, #tpu.memory_space<semaphore_mem>>)
      tpu.wait_dma2 semaphore(%run_scoped3A : memref<!tpu.dma_semaphore, #tpu.memory_space<semaphore_mem>>) src(%arg5 : memref<1024xi32, #tpu.memory_space<hbm>>) dst(%arg20 : memref<1024xi32, #tpu.memory_space<vmem>>)
      tpu.yield
    }) : () -> ()
    %not3A = arith.constant true
    %not3A_4 = arith.xori %eq3A_3, %not3A : i1
    %convert_element_type3A = arith.extui %not3A_4 : i1 to i32
    %cond3A = arith.constant 0 : i32
    %cond3A_5 = arith.cmpi ne, %convert_element_type3A, %cond3A : i32
    scf.if %cond3A_5 {
      "tpu.region"() ({
        %run_scoped3A = tpu.sem_alloc : memref<!tpu.dma_semaphore, #tpu.memory_space<semaphore_mem>>
        %dma_start3A = arith.constant 0 : i32
        %dma_start3A_149 = tpu.memref_slice %arg21[%dma_start3A] : memref<1568xf32, #tpu.memory_space<vmem>> -> memref<1568xf32, #tpu.memory_space<vmem>>
        %dma_start3A_150 = tpu.memref_slice %arg2[%mul3A_2] : memref<50000xf32, #tpu.memory_space<hbm>> -> memref<1568xf32, #tpu.memory_space<hbm>>
        %dma_start3A_151 = arith.constant 0 : i32
        %dma_start3A_152 = tpu.memref_slice %arg21[%dma_start3A_151] : memref<1568xf32, #tpu.memory_space<vmem>> -> memref<1568xf32, #tpu.memory_space<vmem>>
        %dma_start3A_153 = tpu.memref_slice %arg2[%mul3A_2] : memref<50000xf32, #tpu.memory_space<hbm>> -> memref<1568xf32, #tpu.memory_space<hbm>>
        tpu.enqueue_dma source(%dma_start3A_153 : memref<1568xf32, #tpu.memory_space<hbm>>) target(%dma_start3A_152 : memref<1568xf32, #tpu.memory_space<vmem>>) target_semaphore(%run_scoped3A : memref<!tpu.dma_semaphore, #tpu.memory_space<semaphore_mem>>)
        %dma_wait3A = arith.constant 0 : i32
        %dma_wait3A_154 = tpu.memref_slice %arg21[%dma_wait3A] : memref<1568xf32, #tpu.memory_space<vmem>> -> memref<1568xf32, #tpu.memory_space<vmem>>
        %dma_wait3A_155 = tpu.memref_slice %arg2[%mul3A_2] : memref<50000xf32, #tpu.memory_space<hbm>> -> memref<1568xf32, #tpu.memory_space<hbm>>
        %dma_wait3A_156 = arith.constant 0 : i32
        %dma_wait3A_157 = tpu.memref_slice %arg21[%dma_wait3A_156] : memref<1568xf32, #tpu.memory_space<vmem>> -> memref<1568xf32, #tpu.memory_space<vmem>>
        %dma_wait3A_158 = tpu.memref_slice %arg2[%mul3A_2] : memref<50000xf32, #tpu.memory_space<hbm>> -> memref<1568xf32, #tpu.memory_space<hbm>>
        tpu.wait_dma2 semaphore(%run_scoped3A : memref<!tpu.dma_semaphore, #tpu.memory_space<semaphore_mem>>) src(%dma_wait3A_158 : memref<1568xf32, #tpu.memory_space<hbm>>) dst(%dma_wait3A_157 : memref<1568xf32, #tpu.memory_space<vmem>>)
        tpu.yield
      }) : () -> ()
      "tpu.region"() ({
        %run_scoped3A = tpu.sem_alloc : memref<!tpu.dma_semaphore, #tpu.memory_space<semaphore_mem>>
        %dma_start3A = arith.constant 0 : i32
        %dma_start3A_149 = tpu.memref_slice %arg22[%dma_start3A] : memref<1568xi32, #tpu.memory_space<vmem>> -> memref<1568xi32, #tpu.memory_space<vmem>>
        %dma_start3A_150 = tpu.memref_slice %arg3[%mul3A_2] : memref<50000xi32, #tpu.memory_space<hbm>> -> memref<1568xi32, #tpu.memory_space<hbm>>
        %dma_start3A_151 = arith.constant 0 : i32
        %dma_start3A_152 = tpu.memref_slice %arg22[%dma_start3A_151] : memref<1568xi32, #tpu.memory_space<vmem>> -> memref<1568xi32, #tpu.memory_space<vmem>>
        %dma_start3A_153 = tpu.memref_slice %arg3[%mul3A_2] : memref<50000xi32, #tpu.memory_space<hbm>> -> memref<1568xi32, #tpu.memory_space<hbm>>
        tpu.enqueue_dma source(%dma_start3A_153 : memref<1568xi32, #tpu.memory_space<hbm>>) target(%dma_start3A_152 : memref<1568xi32, #tpu.memory_space<vmem>>) target_semaphore(%run_scoped3A : memref<!tpu.dma_semaphore, #tpu.memory_space<semaphore_mem>>)
        %dma_wait3A = arith.constant 0 : i32
        %dma_wait3A_154 = tpu.memref_slice %arg22[%dma_wait3A] : memref<1568xi32, #tpu.memory_space<vmem>> -> memref<1568xi32, #tpu.memory_space<vmem>>
        %dma_wait3A_155 = tpu.memref_slice %arg3[%mul3A_2] : memref<50000xi32, #tpu.memory_space<hbm>> -> memref<1568xi32, #tpu.memory_space<hbm>>
        %dma_wait3A_156 = arith.constant 0 : i32
        %dma_wait3A_157 = tpu.memref_slice %arg22[%dma_wait3A_156] : memref<1568xi32, #tpu.memory_space<vmem>> -> memref<1568xi32, #tpu.memory_space<vmem>>
        %dma_wait3A_158 = tpu.memref_slice %arg3[%mul3A_2] : memref<50000xi32, #tpu.memory_space<hbm>> -> memref<1568xi32, #tpu.memory_space<hbm>>
        tpu.wait_dma2 semaphore(%run_scoped3A : memref<!tpu.dma_semaphore, #tpu.memory_space<semaphore_mem>>) src(%dma_wait3A_158 : memref<1568xi32, #tpu.memory_space<hbm>>) dst(%dma_wait3A_157 : memref<1568xi32, #tpu.memory_space<vmem>>)
        tpu.yield
      }) : () -> ()
    } else {
    }
    %convert_element_type3A_6 = arith.extui %eq3A_3 : i1 to i32
    %cond3A_7 = arith.constant 0 : i32
    %cond3A_8 = arith.cmpi ne, %convert_element_type3A_6, %cond3A_7 : i32
    scf.if %cond3A_8 {
      "tpu.region"() ({
        %run_scoped3A = tpu.sem_alloc : memref<!tpu.dma_semaphore, #tpu.memory_space<semaphore_mem>>
        %dma_start3A = arith.constant 0 : i32
        %dma_start3A_149 = tpu.memref_slice %arg21[%dma_start3A] : memref<1568xf32, #tpu.memory_space<vmem>> -> memref<1392xf32, #tpu.memory_space<vmem>>
        %dma_start3A_150 = tpu.memref_slice %arg2[%mul3A_2] : memref<50000xf32, #tpu.memory_space<hbm>> -> memref<1392xf32, #tpu.memory_space<hbm>>
        %dma_start3A_151 = arith.constant 0 : i32
        %dma_start3A_152 = tpu.memref_slice %arg21[%dma_start3A_151] : memref<1568xf32, #tpu.memory_space<vmem>> -> memref<1392xf32, #tpu.memory_space<vmem>>
        %dma_start3A_153 = tpu.memref_slice %arg2[%mul3A_2] : memref<50000xf32, #tpu.memory_space<hbm>> -> memref<1392xf32, #tpu.memory_space<hbm>>
        tpu.enqueue_dma source(%dma_start3A_153 : memref<1392xf32, #tpu.memory_space<hbm>>) target(%dma_start3A_152 : memref<1392xf32, #tpu.memory_space<vmem>>) target_semaphore(%run_scoped3A : memref<!tpu.dma_semaphore, #tpu.memory_space<semaphore_mem>>)
        %dma_wait3A = arith.constant 0 : i32
        %dma_wait3A_154 = tpu.memref_slice %arg21[%dma_wait3A] : memref<1568xf32, #tpu.memory_space<vmem>> -> memref<1392xf32, #tpu.memory_space<vmem>>
        %dma_wait3A_155 = tpu.memref_slice %arg2[%mul3A_2] : memref<50000xf32, #tpu.memory_space<hbm>> -> memref<1392xf32, #tpu.memory_space<hbm>>
        %dma_wait3A_156 = arith.constant 0 : i32
        %dma_wait3A_157 = tpu.memref_slice %arg21[%dma_wait3A_156] : memref<1568xf32, #tpu.memory_space<vmem>> -> memref<1392xf32, #tpu.memory_space<vmem>>
        %dma_wait3A_158 = tpu.memref_slice %arg2[%mul3A_2] : memref<50000xf32, #tpu.memory_space<hbm>> -> memref<1392xf32, #tpu.memory_space<hbm>>
        tpu.wait_dma2 semaphore(%run_scoped3A : memref<!tpu.dma_semaphore, #tpu.memory_space<semaphore_mem>>) src(%dma_wait3A_158 : memref<1392xf32, #tpu.memory_space<hbm>>) dst(%dma_wait3A_157 : memref<1392xf32, #tpu.memory_space<vmem>>)
        tpu.yield
      }) : () -> ()
      "tpu.region"() ({
        %run_scoped3A = tpu.sem_alloc : memref<!tpu.dma_semaphore, #tpu.memory_space<semaphore_mem>>
        %dma_start3A = arith.constant 0 : i32
        %dma_start3A_149 = tpu.memref_slice %arg22[%dma_start3A] : memref<1568xi32, #tpu.memory_space<vmem>> -> memref<1392xi32, #tpu.memory_space<vmem>>
        %dma_start3A_150 = tpu.memref_slice %arg3[%mul3A_2] : memref<50000xi32, #tpu.memory_space<hbm>> -> memref<1392xi32, #tpu.memory_space<hbm>>
        %dma_start3A_151 = arith.constant 0 : i32
        %dma_start3A_152 = tpu.memref_slice %arg22[%dma_start3A_151] : memref<1568xi32, #tpu.memory_space<vmem>> -> memref<1392xi32, #tpu.memory_space<vmem>>
        %dma_start3A_153 = tpu.memref_slice %arg3[%mul3A_2] : memref<50000xi32, #tpu.memory_space<hbm>> -> memref<1392xi32, #tpu.memory_space<hbm>>
        tpu.enqueue_dma source(%dma_start3A_153 : memref<1392xi32, #tpu.memory_space<hbm>>) target(%dma_start3A_152 : memref<1392xi32, #tpu.memory_space<vmem>>) target_semaphore(%run_scoped3A : memref<!tpu.dma_semaphore, #tpu.memory_space<semaphore_mem>>)
        %dma_wait3A = arith.constant 0 : i32
        %dma_wait3A_154 = tpu.memref_slice %arg22[%dma_wait3A] : memref<1568xi32, #tpu.memory_space<vmem>> -> memref<1392xi32, #tpu.memory_space<vmem>>
        %dma_wait3A_155 = tpu.memref_slice %arg3[%mul3A_2] : memref<50000xi32, #tpu.memory_space<hbm>> -> memref<1392xi32, #tpu.memory_space<hbm>>
        %dma_wait3A_156 = arith.constant 0 : i32
        %dma_wait3A_157 = tpu.memref_slice %arg22[%dma_wait3A_156] : memref<1568xi32, #tpu.memory_space<vmem>> -> memref<1392xi32, #tpu.memory_space<vmem>>
        %dma_wait3A_158 = tpu.memref_slice %arg3[%mul3A_2] : memref<50000xi32, #tpu.memory_space<hbm>> -> memref<1392xi32, #tpu.memory_space<hbm>>
        tpu.wait_dma2 semaphore(%run_scoped3A : memref<!tpu.dma_semaphore, #tpu.memory_space<semaphore_mem>>) src(%dma_wait3A_158 : memref<1392xi32, #tpu.memory_space<hbm>>) dst(%dma_wait3A_157 : memref<1392xi32, #tpu.memory_space<vmem>>)
        tpu.yield
      }) : () -> ()
    } else {
    }
    %scan3A = arith.constant 0 : i32
    %scan3A_9 = arith.constant 0 : i32
    %scan3A_10 = arith.constant 98 : i32
    %scan3A_11 = arith.addi %scan3A_9, %scan3A_10 : i32
    %scan3A_12 = arith.constant 1 : i32
    %scan3A_13 = scf.for %scan3A_149 = %scan3A_9 to %scan3A_11 step %scan3A_12 iter_args(%scan3A_150 = %scan3A) -> (i32)  : i32 {
      %broadcast_in_dim3A_151 = arith.constant -1 : i32
      %broadcast_in_dim3A_152 = vector.broadcast %broadcast_in_dim3A_151 : i32 to vector<16xi32>
      %mul3A_153 = arith.constant 16 : i32
      %mul3A_154 = arith.muli %scan3A_149, %mul3A_153 : i32
      %swap3A_155 = arith.index_cast %mul3A_154 : i32 to index
      %swap3A_156 = tpu.vector_load %arg13[%swap3A_155] {strides = array<i32>} : memref<1568xi32, #tpu.memory_space<vmem>>, vector<16xi32>,
      tpu.vector_store %arg13[%swap3A_155], %broadcast_in_dim3A_152 {strides = array<i32>} : memref<1568xi32, #tpu.memory_space<vmem>>, vector<16xi32>,
      %scan3A_157 = arith.constant 0 : i32
      scf.yield %scan3A_157 : i32
    }
    %scan3A_14 = arith.constant 98 : i32
    %scan3A_15 = arith.constant 0 : i32
    %scan3A_16 = arith.constant 0 : i32
    %scan3A_17 = arith.constant 64 : i32
    %scan3A_18 = arith.addi %scan3A_16, %scan3A_17 : i32
    %scan3A_19 = arith.constant 1 : i32
    %scan3A_20 = scf.for %scan3A_149 = %scan3A_16 to %scan3A_18 step %scan3A_19 iter_args(%scan3A_150 = %scan3A_15) -> (i32)  : i32 {
      %mul3A_151 = arith.constant 16 : i32
      %mul3A_152 = arith.muli %scan3A_149, %mul3A_151 : i32
      %get3A = arith.index_cast %mul3A_152 : i32 to index
      %get3A_153 = tpu.vector_load %arg12[%get3A] {strides = array<i32>} : memref<1024xi32, #tpu.memory_space<vmem>>, vector<16xi32>,
      %mul3A_154 = arith.constant 16 : i32
      %mul3A_155 = arith.muli %scan3A_149, %mul3A_154 : i32
      %add3A_156 = vector.broadcast %mul3A_155 : i32 to vector<16xi32>
      %add3A_157 = arith.addi %iota3A, %add3A_156 : vector<16xi32>
      %swap3A_158 = arith.constant 0 : index
      %swap3A_159 = tpu.vector_load %arg14[%swap3A_158] {strides = array<i32>} : memref<16xi32, #tpu.memory_space<vmem>>, vector<16xi32>,
      tpu.vector_store %arg14[%swap3A_158], %get3A_153 {strides = array<i32>} : memref<16xi32, #tpu.memory_space<vmem>>, vector<16xi32>,
      %broadcast_in_dim3A_160 = arith.constant 0 : i32
      %broadcast_in_dim3A_161 = vector.broadcast %broadcast_in_dim3A_160 : i32 to vector<16xi32>
      %add3A_162 = arith.constant 1 : i32
      %add3A_163 = vector.broadcast %add3A_162 : i32 to vector<16xi32>
      %add3A_164 = arith.addi %iota3A, %add3A_163 : vector<16xi32>
      %min3A_165 = arith.constant 15 : i32
      %min3A_166 = vector.broadcast %min3A_165 : i32 to vector<16xi32>
      %min3A_167 = arith.minsi %add3A_164, %min3A_166 : vector<16xi32>
      %gather3A_168 = tpu.vector_load_idx %arg14[%min3A_167] : memref<16xi32, #tpu.memory_space<vmem>>[vector<16xi32>], vector<16xi32>,
      %add3A_169 = arith.constant 1 : i32
      %add3A_170 = vector.broadcast %add3A_169 : i32 to vector<16xi32>
      %add3A_171 = arith.addi %iota3A, %add3A_170 : vector<16xi32>
      %le3A = arith.constant 15 : i32
      %le3A_172 = vector.broadcast %le3A : i32 to vector<16xi32>
      %le3A_173 = arith.cmpi sle, %add3A_171, %le3A_172 : vector<16xi32>
      %eq3A_174 = arith.cmpi eq, %gather3A_168, %get3A_153 : vector<16xi32>
      %and3A_175 = arith.andi %le3A_173, %eq3A_174 : vector<16xi1>
      %jit3A_176 = arith.constant 1 : i32
      %broadcast_in_dim3A_177 = vector.broadcast %jit3A_176 : i32 to vector<16xi32>
      %select_n3A_178 = arith.select %and3A_175, %broadcast_in_dim3A_177, %broadcast_in_dim3A_161 : vector<16xi1>, vector<16xi32>
      %add3A_179 = arith.constant 2 : i32
      %add3A_180 = vector.broadcast %add3A_179 : i32 to vector<16xi32>
      %add3A_181 = arith.addi %iota3A, %add3A_180 : vector<16xi32>
      %min3A_182 = arith.constant 15 : i32
      %min3A_183 = vector.broadcast %min3A_182 : i32 to vector<16xi32>
      %min3A_184 = arith.minsi %add3A_181, %min3A_183 : vector<16xi32>
      %gather3A_185 = tpu.vector_load_idx %arg14[%min3A_184] : memref<16xi32, #tpu.memory_space<vmem>>[vector<16xi32>], vector<16xi32>,
      %add3A_186 = arith.constant 2 : i32
      %add3A_187 = vector.broadcast %add3A_186 : i32 to vector<16xi32>
      %add3A_188 = arith.addi %iota3A, %add3A_187 : vector<16xi32>
      %le3A_189 = arith.constant 15 : i32
      %le3A_190 = vector.broadcast %le3A_189 : i32 to vector<16xi32>
      %le3A_191 = arith.cmpi sle, %add3A_188, %le3A_190 : vector<16xi32>
      %eq3A_192 = arith.cmpi eq, %gather3A_185, %get3A_153 : vector<16xi32>
      %and3A_193 = arith.andi %le3A_191, %eq3A_192 : vector<16xi1>
      %jit3A_194 = arith.constant 1 : i32
      %broadcast_in_dim3A_195 = vector.broadcast %jit3A_194 : i32 to vector<16xi32>
      %select_n3A_196 = arith.select %and3A_193, %broadcast_in_dim3A_195, %select_n3A_178 : vector<16xi1>, vector<16xi32>
      %add3A_197 = arith.constant 3 : i32
      %add3A_198 = vector.broadcast %add3A_197 : i32 to vector<16xi32>
      %add3A_199 = arith.addi %iota3A, %add3A_198 : vector<16xi32>
      %min3A_200 = arith.constant 15 : i32
      %min3A_201 = vector.broadcast %min3A_200 : i32 to vector<16xi32>
      %min3A_202 = arith.minsi %add3A_199, %min3A_201 : vector<16xi32>
      %gather3A_203 = tpu.vector_load_idx %arg14[%min3A_202] : memref<16xi32, #tpu.memory_space<vmem>>[vector<16xi32>], vector<16xi32>,
      %add3A_204 = arith.constant 3 : i32
      %add3A_205 = vector.broadcast %add3A_204 : i32 to vector<16xi32>
      %add3A_206 = arith.addi %iota3A, %add3A_205 : vector<16xi32>
      %le3A_207 = arith.constant 15 : i32
      %le3A_208 = vector.broadcast %le3A_207 : i32 to vector<16xi32>
      %le3A_209 = arith.cmpi sle, %add3A_206, %le3A_208 : vector<16xi32>
      %eq3A_210 = arith.cmpi eq, %gather3A_203, %get3A_153 : vector<16xi32>
      %and3A_211 = arith.andi %le3A_209, %eq3A_210 : vector<16xi1>
      %jit3A_212 = arith.constant 1 : i32
      %broadcast_in_dim3A_213 = vector.broadcast %jit3A_212 : i32 to vector<16xi32>
      %select_n3A_214 = arith.select %and3A_211, %broadcast_in_dim3A_213, %select_n3A_196 : vector<16xi1>, vector<16xi32>
      %add3A_215 = arith.constant 4 : i32
      %add3A_216 = vector.broadcast %add3A_215 : i32 to vector<16xi32>
      %add3A_217 = arith.addi %iota3A, %add3A_216 : vector<16xi32>
      %min3A_218 = arith.constant 15 : i32
      %min3A_219 = vector.broadcast %min3A_218 : i32 to vector<16xi32>
      %min3A_220 = arith.minsi %add3A_217, %min3A_219 : vector<16xi32>
      %gather3A_221 = tpu.vector_load_idx %arg14[%min3A_220] : memref<16xi32, #tpu.memory_space<vmem>>[vector<16xi32>], vector<16xi32>,
      %add3A_222 = arith.constant 4 : i32
      %add3A_223 = vector.broadcast %add3A_222 : i32 to vector<16xi32>
      %add3A_224 = arith.addi %iota3A, %add3A_223 : vector<16xi32>
      %le3A_225 = arith.constant 15 : i32
      %le3A_226 = vector.broadcast %le3A_225 : i32 to vector<16xi32>
      %le3A_227 = arith.cmpi sle, %add3A_224, %le3A_226 : vector<16xi32>
      %eq3A_228 = arith.cmpi eq, %gather3A_221, %get3A_153 : vector<16xi32>
      %and3A_229 = arith.andi %le3A_227, %eq3A_228 : vector<16xi1>
      %jit3A_230 = arith.constant 1 : i32
      %broadcast_in_dim3A_231 = vector.broadcast %jit3A_230 : i32 to vector<16xi32>
      %select_n3A_232 = arith.select %and3A_229, %broadcast_in_dim3A_231, %select_n3A_214 : vector<16xi1>, vector<16xi32>
      %add3A_233 = arith.constant 5 : i32
      %add3A_234 = vector.broadcast %add3A_233 : i32 to vector<16xi32>
      %add3A_235 = arith.addi %iota3A, %add3A_234 : vector<16xi32>
      %min3A_236 = arith.constant 15 : i32
      %min3A_237 = vector.broadcast %min3A_236 : i32 to vector<16xi32>
      %min3A_238 = arith.minsi %add3A_235, %min3A_237 : vector<16xi32>
      %gather3A_239 = tpu.vector_load_idx %arg14[%min3A_238] : memref<16xi32, #tpu.memory_space<vmem>>[vector<16xi32>], vector<16xi32>,
      %add3A_240 = arith.constant 5 : i32
      %add3A_241 = vector.broadcast %add3A_240 : i32 to vector<16xi32>
      %add3A_242 = arith.addi %iota3A, %add3A_241 : vector<16xi32>
      %le3A_243 = arith.constant 15 : i32
      %le3A_244 = vector.broadcast %le3A_243 : i32 to vector<16xi32>
      %le3A_245 = arith.cmpi sle, %add3A_242, %le3A_244 : vector<16xi32>
      %eq3A_246 = arith.cmpi eq, %gather3A_239, %get3A_153 : vector<16xi32>
      %and3A_247 = arith.andi %le3A_245, %eq3A_246 : vector<16xi1>
      %jit3A_248 = arith.constant 1 : i32
      %broadcast_in_dim3A_249 = vector.broadcast %jit3A_248 : i32 to vector<16xi32>
      %select_n3A_250 = arith.select %and3A_247, %broadcast_in_dim3A_249, %select_n3A_232 : vector<16xi1>, vector<16xi32>
      %add3A_251 = arith.constant 6 : i32
      %add3A_252 = vector.broadcast %add3A_251 : i32 to vector<16xi32>
      %add3A_253 = arith.addi %iota3A, %add3A_252 : vector<16xi32>
      %min3A_254 = arith.constant 15 : i32
      %min3A_255 = vector.broadcast %min3A_254 : i32 to vector<16xi32>
      %min3A_256 = arith.minsi %add3A_253, %min3A_255 : vector<16xi32>
      %gather3A_257 = tpu.vector_load_idx %arg14[%min3A_256] : memref<16xi32, #tpu.memory_space<vmem>>[vector<16xi32>], vector<16xi32>,
      %add3A_258 = arith.constant 6 : i32
      %add3A_259 = vector.broadcast %add3A_258 : i32 to vector<16xi32>
      %add3A_260 = arith.addi %iota3A, %add3A_259 : vector<16xi32>
      %le3A_261 = arith.constant 15 : i32
      %le3A_262 = vector.broadcast %le3A_261 : i32 to vector<16xi32>
      %le3A_263 = arith.cmpi sle, %add3A_260, %le3A_262 : vector<16xi32>
      %eq3A_264 = arith.cmpi eq, %gather3A_257, %get3A_153 : vector<16xi32>
      %and3A_265 = arith.andi %le3A_263, %eq3A_264 : vector<16xi1>
      %jit3A_266 = arith.constant 1 : i32
      %broadcast_in_dim3A_267 = vector.broadcast %jit3A_266 : i32 to vector<16xi32>
      %select_n3A_268 = arith.select %and3A_265, %broadcast_in_dim3A_267, %select_n3A_250 : vector<16xi1>, vector<16xi32>
      %add3A_269 = arith.constant 7 : i32
      %add3A_270 = vector.broadcast %add3A_269 : i32 to vector<16xi32>
      %add3A_271 = arith.addi %iota3A, %add3A_270 : vector<16xi32>
      %min3A_272 = arith.constant 15 : i32
      %min3A_273 = vector.broadcast %min3A_272 : i32 to vector<16xi32>
      %min3A_274 = arith.minsi %add3A_271, %min3A_273 : vector<16xi32>
      %gather3A_275 = tpu.vector_load_idx %arg14[%min3A_274] : memref<16xi32, #tpu.memory_space<vmem>>[vector<16xi32>], vector<16xi32>,
      %add3A_276 = arith.constant 7 : i32
      %add3A_277 = vector.broadcast %add3A_276 : i32 to vector<16xi32>
      %add3A_278 = arith.addi %iota3A, %add3A_277 : vector<16xi32>
      %le3A_279 = arith.constant 15 : i32
      %le3A_280 = vector.broadcast %le3A_279 : i32 to vector<16xi32>
      %le3A_281 = arith.cmpi sle, %add3A_278, %le3A_280 : vector<16xi32>
      %eq3A_282 = arith.cmpi eq, %gather3A_275, %get3A_153 : vector<16xi32>
      %and3A_283 = arith.andi %le3A_281, %eq3A_282 : vector<16xi1>
      %jit3A_284 = arith.constant 1 : i32
      %broadcast_in_dim3A_285 = vector.broadcast %jit3A_284 : i32 to vector<16xi32>
      %select_n3A_286 = arith.select %and3A_283, %broadcast_in_dim3A_285, %select_n3A_268 : vector<16xi1>, vector<16xi32>
      %add3A_287 = arith.constant 8 : i32
      %add3A_288 = vector.broadcast %add3A_287 : i32 to vector<16xi32>
      %add3A_289 = arith.addi %iota3A, %add3A_288 : vector<16xi32>
      %min3A_290 = arith.constant 15 : i32
      %min3A_291 = vector.broadcast %min3A_290 : i32 to vector<16xi32>
      %min3A_292 = arith.minsi %add3A_289, %min3A_291 : vector<16xi32>
      %gather3A_293 = tpu.vector_load_idx %arg14[%min3A_292] : memref<16xi32, #tpu.memory_space<vmem>>[vector<16xi32>], vector<16xi32>,
      %add3A_294 = arith.constant 8 : i32
      %add3A_295 = vector.broadcast %add3A_294 : i32 to vector<16xi32>
      %add3A_296 = arith.addi %iota3A, %add3A_295 : vector<16xi32>
      %le3A_297 = arith.constant 15 : i32
      %le3A_298 = vector.broadcast %le3A_297 : i32 to vector<16xi32>
      %le3A_299 = arith.cmpi sle, %add3A_296, %le3A_298 : vector<16xi32>
      %eq3A_300 = arith.cmpi eq, %gather3A_293, %get3A_153 : vector<16xi32>
      %and3A_301 = arith.andi %le3A_299, %eq3A_300 : vector<16xi1>
      %jit3A_302 = arith.constant 1 : i32
      %broadcast_in_dim3A_303 = vector.broadcast %jit3A_302 : i32 to vector<16xi32>
      %select_n3A_304 = arith.select %and3A_301, %broadcast_in_dim3A_303, %select_n3A_286 : vector<16xi1>, vector<16xi32>
      %add3A_305 = arith.constant 9 : i32
      %add3A_306 = vector.broadcast %add3A_305 : i32 to vector<16xi32>
      %add3A_307 = arith.addi %iota3A, %add3A_306 : vector<16xi32>
      %min3A_308 = arith.constant 15 : i32
      %min3A_309 = vector.broadcast %min3A_308 : i32 to vector<16xi32>
      %min3A_310 = arith.minsi %add3A_307, %min3A_309 : vector<16xi32>
      %gather3A_311 = tpu.vector_load_idx %arg14[%min3A_310] : memref<16xi32, #tpu.memory_space<vmem>>[vector<16xi32>], vector<16xi32>,
      %add3A_312 = arith.constant 9 : i32
      %add3A_313 = vector.broadcast %add3A_312 : i32 to vector<16xi32>
      %add3A_314 = arith.addi %iota3A, %add3A_313 : vector<16xi32>
      %le3A_315 = arith.constant 15 : i32
      %le3A_316 = vector.broadcast %le3A_315 : i32 to vector<16xi32>
      %le3A_317 = arith.cmpi sle, %add3A_314, %le3A_316 : vector<16xi32>
      %eq3A_318 = arith.cmpi eq, %gather3A_311, %get3A_153 : vector<16xi32>
      %and3A_319 = arith.andi %le3A_317, %eq3A_318 : vector<16xi1>
      %jit3A_320 = arith.constant 1 : i32
      %broadcast_in_dim3A_321 = vector.broadcast %jit3A_320 : i32 to vector<16xi32>
      %select_n3A_322 = arith.select %and3A_319, %broadcast_in_dim3A_321, %select_n3A_304 : vector<16xi1>, vector<16xi32>
      %add3A_323 = arith.constant 10 : i32
      %add3A_324 = vector.broadcast %add3A_323 : i32 to vector<16xi32>
      %add3A_325 = arith.addi %iota3A, %add3A_324 : vector<16xi32>
      %min3A_326 = arith.constant 15 : i32
      %min3A_327 = vector.broadcast %min3A_326 : i32 to vector<16xi32>
      %min3A_328 = arith.minsi %add3A_325, %min3A_327 : vector<16xi32>
      %gather3A_329 = tpu.vector_load_idx %arg14[%min3A_328] : memref<16xi32, #tpu.memory_space<vmem>>[vector<16xi32>], vector<16xi32>,
      %add3A_330 = arith.constant 10 : i32
      %add3A_331 = vector.broadcast %add3A_330 : i32 to vector<16xi32>
      %add3A_332 = arith.addi %iota3A, %add3A_331 : vector<16xi32>
      %le3A_333 = arith.constant 15 : i32
      %le3A_334 = vector.broadcast %le3A_333 : i32 to vector<16xi32>
      %le3A_335 = arith.cmpi sle, %add3A_332, %le3A_334 : vector<16xi32>
      %eq3A_336 = arith.cmpi eq, %gather3A_329, %get3A_153 : vector<16xi32>
      %and3A_337 = arith.andi %le3A_335, %eq3A_336 : vector<16xi1>
      %jit3A_338 = arith.constant 1 : i32
      %broadcast_in_dim3A_339 = vector.broadcast %jit3A_338 : i32 to vector<16xi32>
      %select_n3A_340 = arith.select %and3A_337, %broadcast_in_dim3A_339, %select_n3A_322 : vector<16xi1>, vector<16xi32>
      %add3A_341 = arith.constant 11 : i32
      %add3A_342 = vector.broadcast %add3A_341 : i32 to vector<16xi32>
      %add3A_343 = arith.addi %iota3A, %add3A_342 : vector<16xi32>
      %min3A_344 = arith.constant 15 : i32
      %min3A_345 = vector.broadcast %min3A_344 : i32 to vector<16xi32>
      %min3A_346 = arith.minsi %add3A_343, %min3A_345 : vector<16xi32>
      %gather3A_347 = tpu.vector_load_idx %arg14[%min3A_346] : memref<16xi32, #tpu.memory_space<vmem>>[vector<16xi32>], vector<16xi32>,
      %add3A_348 = arith.constant 11 : i32
      %add3A_349 = vector.broadcast %add3A_348 : i32 to vector<16xi32>
      %add3A_350 = arith.addi %iota3A, %add3A_349 : vector<16xi32>
      %le3A_351 = arith.constant 15 : i32
      %le3A_352 = vector.broadcast %le3A_351 : i32 to vector<16xi32>
      %le3A_353 = arith.cmpi sle, %add3A_350, %le3A_352 : vector<16xi32>
      %eq3A_354 = arith.cmpi eq, %gather3A_347, %get3A_153 : vector<16xi32>
      %and3A_355 = arith.andi %le3A_353, %eq3A_354 : vector<16xi1>
      %jit3A_356 = arith.constant 1 : i32
      %broadcast_in_dim3A_357 = vector.broadcast %jit3A_356 : i32 to vector<16xi32>
      %select_n3A_358 = arith.select %and3A_355, %broadcast_in_dim3A_357, %select_n3A_340 : vector<16xi1>, vector<16xi32>
      %add3A_359 = arith.constant 12 : i32
      %add3A_360 = vector.broadcast %add3A_359 : i32 to vector<16xi32>
      %add3A_361 = arith.addi %iota3A, %add3A_360 : vector<16xi32>
      %min3A_362 = arith.constant 15 : i32
      %min3A_363 = vector.broadcast %min3A_362 : i32 to vector<16xi32>
      %min3A_364 = arith.minsi %add3A_361, %min3A_363 : vector<16xi32>
      %gather3A_365 = tpu.vector_load_idx %arg14[%min3A_364] : memref<16xi32, #tpu.memory_space<vmem>>[vector<16xi32>], vector<16xi32>,
      %add3A_366 = arith.constant 12 : i32
      %add3A_367 = vector.broadcast %add3A_366 : i32 to vector<16xi32>
      %add3A_368 = arith.addi %iota3A, %add3A_367 : vector<16xi32>
      %le3A_369 = arith.constant 15 : i32
      %le3A_370 = vector.broadcast %le3A_369 : i32 to vector<16xi32>
      %le3A_371 = arith.cmpi sle, %add3A_368, %le3A_370 : vector<16xi32>
      %eq3A_372 = arith.cmpi eq, %gather3A_365, %get3A_153 : vector<16xi32>
      %and3A_373 = arith.andi %le3A_371, %eq3A_372 : vector<16xi1>
      %jit3A_374 = arith.constant 1 : i32
      %broadcast_in_dim3A_375 = vector.broadcast %jit3A_374 : i32 to vector<16xi32>
      %select_n3A_376 = arith.select %and3A_373, %broadcast_in_dim3A_375, %select_n3A_358 : vector<16xi1>, vector<16xi32>
      %add3A_377 = arith.constant 13 : i32
      %add3A_378 = vector.broadcast %add3A_377 : i32 to vector<16xi32>
      %add3A_379 = arith.addi %iota3A, %add3A_378 : vector<16xi32>
      %min3A_380 = arith.constant 15 : i32
      %min3A_381 = vector.broadcast %min3A_380 : i32 to vector<16xi32>
      %min3A_382 = arith.minsi %add3A_379, %min3A_381 : vector<16xi32>
      %gather3A_383 = tpu.vector_load_idx %arg14[%min3A_382] : memref<16xi32, #tpu.memory_space<vmem>>[vector<16xi32>], vector<16xi32>,
      %add3A_384 = arith.constant 13 : i32
      %add3A_385 = vector.broadcast %add3A_384 : i32 to vector<16xi32>
      %add3A_386 = arith.addi %iota3A, %add3A_385 : vector<16xi32>
      %le3A_387 = arith.constant 15 : i32
      %le3A_388 = vector.broadcast %le3A_387 : i32 to vector<16xi32>
      %le3A_389 = arith.cmpi sle, %add3A_386, %le3A_388 : vector<16xi32>
      %eq3A_390 = arith.cmpi eq, %gather3A_383, %get3A_153 : vector<16xi32>
      %and3A_391 = arith.andi %le3A_389, %eq3A_390 : vector<16xi1>
      %jit3A_392 = arith.constant 1 : i32
      %broadcast_in_dim3A_393 = vector.broadcast %jit3A_392 : i32 to vector<16xi32>
      %select_n3A_394 = arith.select %and3A_391, %broadcast_in_dim3A_393, %select_n3A_376 : vector<16xi1>, vector<16xi32>
      %add3A_395 = arith.constant 14 : i32
      %add3A_396 = vector.broadcast %add3A_395 : i32 to vector<16xi32>
      %add3A_397 = arith.addi %iota3A, %add3A_396 : vector<16xi32>
      %min3A_398 = arith.constant 15 : i32
      %min3A_399 = vector.broadcast %min3A_398 : i32 to vector<16xi32>
      %min3A_400 = arith.minsi %add3A_397, %min3A_399 : vector<16xi32>
      %gather3A_401 = tpu.vector_load_idx %arg14[%min3A_400] : memref<16xi32, #tpu.memory_space<vmem>>[vector<16xi32>], vector<16xi32>,
      %add3A_402 = arith.constant 14 : i32
      %add3A_403 = vector.broadcast %add3A_402 : i32 to vector<16xi32>
      %add3A_404 = arith.addi %iota3A, %add3A_403 : vector<16xi32>
      %le3A_405 = arith.constant 15 : i32
      %le3A_406 = vector.broadcast %le3A_405 : i32 to vector<16xi32>
      %le3A_407 = arith.cmpi sle, %add3A_404, %le3A_406 : vector<16xi32>
      %eq3A_408 = arith.cmpi eq, %gather3A_401, %get3A_153 : vector<16xi32>
      %and3A_409 = arith.andi %le3A_407, %eq3A_408 : vector<16xi1>
      %jit3A_410 = arith.constant 1 : i32
      %broadcast_in_dim3A_411 = vector.broadcast %jit3A_410 : i32 to vector<16xi32>
      %select_n3A_412 = arith.select %and3A_409, %broadcast_in_dim3A_411, %select_n3A_394 : vector<16xi1>, vector<16xi32>
      %add3A_413 = arith.constant 15 : i32
      %add3A_414 = vector.broadcast %add3A_413 : i32 to vector<16xi32>
      %add3A_415 = arith.addi %iota3A, %add3A_414 : vector<16xi32>
      %min3A_416 = arith.constant 15 : i32
      %min3A_417 = vector.broadcast %min3A_416 : i32 to vector<16xi32>
      %min3A_418 = arith.minsi %add3A_415, %min3A_417 : vector<16xi32>
      %gather3A_419 = tpu.vector_load_idx %arg14[%min3A_418] : memref<16xi32, #tpu.memory_space<vmem>>[vector<16xi32>], vector<16xi32>,
      %add3A_420 = arith.constant 15 : i32
      %add3A_421 = vector.broadcast %add3A_420 : i32 to vector<16xi32>
      %add3A_422 = arith.addi %iota3A, %add3A_421 : vector<16xi32>
      %le3A_423 = arith.constant 15 : i32
      %le3A_424 = vector.broadcast %le3A_423 : i32 to vector<16xi32>
      %le3A_425 = arith.cmpi sle, %add3A_422, %le3A_424 : vector<16xi32>
      %eq3A_426 = arith.cmpi eq, %gather3A_419, %get3A_153 : vector<16xi32>
      %and3A_427 = arith.andi %le3A_425, %eq3A_426 : vector<16xi1>
      %jit3A_428 = arith.constant 1 : i32
      %broadcast_in_dim3A_429 = vector.broadcast %jit3A_428 : i32 to vector<16xi32>
      %select_n3A_430 = arith.select %and3A_427, %broadcast_in_dim3A_429, %select_n3A_412 : vector<16xi1>, vector<16xi32>
      %eq3A_431 = arith.constant 0 : i32
      %eq3A_432 = vector.broadcast %eq3A_431 : i32 to vector<16xi32>
      %eq3A_433 = arith.cmpi eq, %select_n3A_430, %eq3A_432 : vector<16xi32>
      %sub3A_434 = vector.broadcast %mul3A_2 : i32 to vector<16xi32>
      %sub3A_435 = arith.subi %get3A_153, %sub3A_434 : vector<16xi32>
      %ge3A = arith.constant 0 : i32
      %ge3A_436 = vector.broadcast %ge3A : i32 to vector<16xi32>
      %ge3A_437 = arith.cmpi sge, %sub3A_435, %ge3A_436 : vector<16xi32>
      %lt3A = arith.constant 1568 : i32
      %lt3A_438 = vector.broadcast %lt3A : i32 to vector<16xi32>
      %lt3A_439 = arith.cmpi slt, %sub3A_435, %lt3A_438 : vector<16xi32>
      %and3A_440 = arith.andi %ge3A_437, %lt3A_439 : vector<16xi1>
      %jit3A_441 = arith.constant 0 : i32
      %jit3A_442 = arith.constant 1567 : i32
      %max3A_443 = vector.broadcast %jit3A_441 : i32 to vector<16xi32>
      %max3A_444 = arith.maxsi %max3A_443, %sub3A_435 : vector<16xi32>
      %min3A_445 = vector.broadcast %jit3A_442 : i32 to vector<16xi32>
      %min3A_446 = arith.minsi %min3A_445, %max3A_444 : vector<16xi32>
      %and3A_447 = arith.andi %eq3A_433, %and3A_440 : vector<16xi1>
      tpu.vector_store_idx %arg13[%min3A_446], %add3A_157 masked %and3A_447 : memref<1568xi32, #tpu.memory_space<vmem>>[vector<16xi32>], vector<16xi32>, vector<16xi1>
      %scan3A_448 = arith.constant 0 : i32
      scf.yield %scan3A_448 : i32
    }
    %scan3A_21 = arith.constant 64 : i32
    %scan3A_22 = arith.constant 0 : i32
    %scan3A_23 = arith.constant 0 : i32
    %scan3A_24 = arith.constant 64 : i32
    %scan3A_25 = arith.addi %scan3A_23, %scan3A_24 : i32
    %scan3A_26 = arith.constant 1 : i32
    %scan3A_27 = scf.for %scan3A_149 = %scan3A_23 to %scan3A_25 step %scan3A_26 iter_args(%scan3A_150 = %scan3A_22) -> (i32)  : i32 {
      %mul3A_151 = arith.constant 16 : i32
      %mul3A_152 = arith.muli %scan3A_149, %mul3A_151 : i32
      %get3A = arith.index_cast %mul3A_152 : i32 to index
      %get3A_153 = tpu.vector_load %arg12[%get3A] {strides = array<i32>} : memref<1024xi32, #tpu.memory_space<vmem>>, vector<16xi32>,
      %mul3A_154 = arith.constant 16 : i32
      %mul3A_155 = arith.muli %scan3A_149, %mul3A_154 : i32
      %add3A_156 = vector.broadcast %mul3A_155 : i32 to vector<16xi32>
      %add3A_157 = arith.addi %iota3A, %add3A_156 : vector<16xi32>
      %sub3A_158 = vector.broadcast %mul3A_2 : i32 to vector<16xi32>
      %sub3A_159 = arith.subi %get3A_153, %sub3A_158 : vector<16xi32>
      %ge3A = arith.constant 0 : i32
      %ge3A_160 = vector.broadcast %ge3A : i32 to vector<16xi32>
      %ge3A_161 = arith.cmpi sge, %sub3A_159, %ge3A_160 : vector<16xi32>
      %lt3A = arith.constant 1568 : i32
      %lt3A_162 = vector.broadcast %lt3A : i32 to vector<16xi32>
      %lt3A_163 = arith.cmpi slt, %sub3A_159, %lt3A_162 : vector<16xi32>
      %and3A_164 = arith.andi %ge3A_161, %lt3A_163 : vector<16xi1>
      %jit3A_165 = arith.constant 0 : i32
      %jit3A_166 = arith.constant 1567 : i32
      %max3A_167 = vector.broadcast %jit3A_165 : i32 to vector<16xi32>
      %max3A_168 = arith.maxsi %max3A_167, %sub3A_159 : vector<16xi32>
      %min3A_169 = vector.broadcast %jit3A_166 : i32 to vector<16xi32>
      %min3A_170 = arith.minsi %min3A_169, %max3A_168 : vector<16xi32>
      %gather3A_171 = tpu.vector_load_idx %arg13[%min3A_170] : memref<1568xi32, #tpu.memory_space<vmem>>[vector<16xi32>], vector<16xi32>,
      %eq3A_172 = arith.cmpi eq, %gather3A_171, %add3A_157 : vector<16xi32>
      %and3A_173 = arith.andi %and3A_164, %eq3A_172 : vector<16xi1>
      %convert_element_type3A_174 = arith.extui %and3A_173 : vector<16xi1> to vector<16xi32>
      %broadcast_in_dim3A_175 = arith.constant true
      %broadcast_in_dim3A_176 = vector.broadcast %broadcast_in_dim3A_175 : i1 to vector<16xi1>
      %masked_cumsum3A = tpu.scan <sum>, %convert_element_type3A_174 masked %broadcast_in_dim3A_176 : vector<16xi32>, vector<16xi1> -> vector<16xi32>
      %add3A_177 = vector.broadcast %scan3A_150 : i32 to vector<16xi32>
      %add3A_178 = arith.addi %add3A_177, %masked_cumsum3A : vector<16xi32>
      %sub3A_179 = arith.constant 1 : i32
      %sub3A_180 = vector.broadcast %sub3A_179 : i32 to vector<16xi32>
      %sub3A_181 = arith.subi %add3A_178, %sub3A_180 : vector<16xi32>
      %jit3A_182 = arith.constant 0 : i32
      %jit3A_183 = arith.constant 1039 : i32
      %max3A_184 = vector.broadcast %jit3A_182 : i32 to vector<16xi32>
      %max3A_185 = arith.maxsi %max3A_184, %sub3A_181 : vector<16xi32>
      %min3A_186 = vector.broadcast %jit3A_183 : i32 to vector<16xi32>
      %min3A_187 = arith.minsi %min3A_186, %max3A_185 : vector<16xi32>
      tpu.vector_store_idx %arg15[%min3A_187], %add3A_157 masked %and3A_173 : memref<1040xi32, #tpu.memory_space<vmem>>[vector<16xi32>], vector<16xi32>, vector<16xi1>
      tpu.vector_store_idx %arg16[%min3A_187], %get3A_153 masked %and3A_173 : memref<1040xi32, #tpu.memory_space<vmem>>[vector<16xi32>], vector<16xi32>, vector<16xi1>
      %jit3A_188 = arith.constant 8 : i32
      %div3A_189 = vector.broadcast %jit3A_188 : i32 to vector<16xi32>
      %div3A_190 = arith.divsi %min3A_187, %div3A_189 : vector<16xi32>
      %sign3A_191 = arith.constant 0 : i32
      %sign3A_192 = vector.broadcast %sign3A_191 : i32 to vector<16xi32>
      %sign3A_193 = arith.cmpi sgt, %min3A_187, %sign3A_192 : vector<16xi32>
      %sign3A_194 = arith.extui %sign3A_193 : vector<16xi1> to vector<16xi32>
      %sign3A_195 = arith.constant 0 : i32
      %sign3A_196 = vector.broadcast %sign3A_195 : i32 to vector<16xi32>
      %sign3A_197 = arith.cmpi slt, %min3A_187, %sign3A_196 : vector<16xi32>
      %sign3A_198 = arith.extui %sign3A_197 : vector<16xi1> to vector<16xi32>
      %sign3A_199 = arith.subi %sign3A_194, %sign3A_198 : vector<16xi32>
      %sign3A_200 = arith.constant 0 : i32
      %sign3A_201 = arith.cmpi sgt, %jit3A_188, %sign3A_200 : i32
      %sign3A_202 = arith.extui %sign3A_201 : i1 to i32
      %sign3A_203 = arith.constant 0 : i32
      %sign3A_204 = arith.cmpi slt, %jit3A_188, %sign3A_203 : i32
      %sign3A_205 = arith.extui %sign3A_204 : i1 to i32
      %sign3A_206 = arith.subi %sign3A_202, %sign3A_205 : i32
      %ne3A_207 = vector.broadcast %sign3A_206 : i32 to vector<16xi32>
      %ne3A_208 = arith.cmpi ne, %sign3A_199, %ne3A_207 : vector<16xi32>
      %rem3A_209 = vector.broadcast %jit3A_188 : i32 to vector<16xi32>
      %rem3A_210 = arith.remsi %min3A_187, %rem3A_209 : vector<16xi32>
      %ne3A_211 = arith.constant 0 : i32
      %ne3A_212 = vector.broadcast %ne3A_211 : i32 to vector<16xi32>
      %ne3A_213 = arith.cmpi ne, %rem3A_210, %ne3A_212 : vector<16xi32>
      %and3A_214 = arith.andi %ne3A_208, %ne3A_213 : vector<16xi1>
      %sub3A_215 = arith.constant 1 : i32
      %sub3A_216 = vector.broadcast %sub3A_215 : i32 to vector<16xi32>
      %sub3A_217 = arith.subi %div3A_190, %sub3A_216 : vector<16xi32>
      %select_n3A_218 = arith.select %and3A_214, %sub3A_217, %div3A_190 : vector<16xi1>, vector<16xi32>
      %jit3A_219 = arith.constant 8 : i32
      %div3A_220 = vector.broadcast %jit3A_219 : i32 to vector<16xi32>
      %div3A_221 = arith.divsi %min3A_187, %div3A_220 : vector<16xi32>
      %sign3A_222 = arith.constant 0 : i32
      %sign3A_223 = vector.broadcast %sign3A_222 : i32 to vector<16xi32>
      %sign3A_224 = arith.cmpi sgt, %min3A_187, %sign3A_223 : vector<16xi32>
      %sign3A_225 = arith.extui %sign3A_224 : vector<16xi1> to vector<16xi32>
      %sign3A_226 = arith.constant 0 : i32
      %sign3A_227 = vector.broadcast %sign3A_226 : i32 to vector<16xi32>
      %sign3A_228 = arith.cmpi slt, %min3A_187, %sign3A_227 : vector<16xi32>
      %sign3A_229 = arith.extui %sign3A_228 : vector<16xi1> to vector<16xi32>
      %sign3A_230 = arith.subi %sign3A_225, %sign3A_229 : vector<16xi32>
      %sign3A_231 = arith.constant 0 : i32
      %sign3A_232 = arith.cmpi sgt, %jit3A_219, %sign3A_231 : i32
      %sign3A_233 = arith.extui %sign3A_232 : i1 to i32
      %sign3A_234 = arith.constant 0 : i32
      %sign3A_235 = arith.cmpi slt, %jit3A_219, %sign3A_234 : i32
      %sign3A_236 = arith.extui %sign3A_235 : i1 to i32
      %sign3A_237 = arith.subi %sign3A_233, %sign3A_236 : i32
      %ne3A_238 = vector.broadcast %sign3A_237 : i32 to vector<16xi32>
      %ne3A_239 = arith.cmpi ne, %sign3A_230, %ne3A_238 : vector<16xi32>
      %rem3A_240 = vector.broadcast %jit3A_219 : i32 to vector<16xi32>
      %rem3A_241 = arith.remsi %min3A_187, %rem3A_240 : vector<16xi32>
      %ne3A_242 = arith.constant 0 : i32
      %ne3A_243 = vector.broadcast %ne3A_242 : i32 to vector<16xi32>
      %ne3A_244 = arith.cmpi ne, %rem3A_241, %ne3A_243 : vector<16xi32>
      %and3A_245 = arith.andi %ne3A_239, %ne3A_244 : vector<16xi1>
      %sub3A_246 = arith.constant 1 : i32
      %sub3A_247 = vector.broadcast %sub3A_246 : i32 to vector<16xi32>
      %sub3A_248 = arith.subi %div3A_221, %sub3A_247 : vector<16xi32>
      %select_n3A_249 = arith.select %and3A_245, %sub3A_248, %div3A_221 : vector<16xi1>, vector<16xi32>
      %mul3A_250 = arith.constant 8 : i32
      %mul3A_251 = vector.broadcast %mul3A_250 : i32 to vector<16xi32>
      %mul3A_252 = arith.muli %select_n3A_249, %mul3A_251 : vector<16xi32>
      %sub3A_253 = arith.subi %min3A_187, %mul3A_252 : vector<16xi32>
      tpu.vector_store_idx %arg17[%select_n3A_218, %sub3A_253], %get3A_153 masked %and3A_173 : memref<130x8xi32, #tpu.memory_space<vmem>>[vector<16xi32>, vector<16xi32>], vector<16xi32>, vector<16xi1>
      %reduce_max3A = arith.constant true
      %reduce_max3A_254 = vector.broadcast %reduce_max3A : i1 to vector<16xi1>
      %reduce_max3A_255 = arith.constant -2147483648 : i32
      %reduce_max3A_256 = vector.broadcast %reduce_max3A_255 : i32 to vector<16xi32>
      %reduce_max3A_257 = arith.xori %masked_cumsum3A, %reduce_max3A_256 : vector<16xi32>
      %reduce_max3A_258 = tpu.scan <max>, %reduce_max3A_257 masked %reduce_max3A_254 : vector<16xi32>, vector<16xi1> -> vector<16xi32>
      %reduce_max3A_259 = arith.xori %reduce_max3A_258, %reduce_max3A_256 : vector<16xi32>
      %reduce_max3A_260 = vector.extract %reduce_max3A_259[15] : i32 from vector<16xi32>
      %add3A_261 = arith.addi %scan3A_150, %reduce_max3A_260 : i32
      scf.yield %add3A_261 : i32
    }
    %scan3A_28 = arith.constant 64 : i32
    %sub3A = arith.constant 1 : i32
    %sub3A_29 = arith.subi %scan3A_27, %sub3A : i32
    %jit3A = arith.constant 0 : i32
    %jit3A_30 = arith.constant 1039 : i32
    %max3A = arith.maxsi %jit3A, %sub3A_29 : i32
    %min3A = arith.minsi %jit3A_30, %max3A : i32
    %broadcast_in_dim3A = vector.broadcast %min3A : i32 to vector<16xi32>
    %gather3A = tpu.vector_load_idx %arg15[%broadcast_in_dim3A] : memref<1040xi32, #tpu.memory_space<vmem>>[vector<16xi32>], vector<16xi32>,
    %gather3A_31 = tpu.vector_load_idx %arg16[%broadcast_in_dim3A] : memref<1040xi32, #tpu.memory_space<vmem>>[vector<16xi32>], vector<16xi32>,
    %add3A_32 = vector.broadcast %scan3A_27 : i32 to vector<16xi32>
    %add3A_33 = arith.addi %add3A_32, %iota3A : vector<16xi32>
    %jit3A_34 = arith.constant 0 : i32
    %jit3A_35 = arith.constant 1039 : i32
    %max3A_36 = vector.broadcast %jit3A_34 : i32 to vector<16xi32>
    %max3A_37 = arith.maxsi %max3A_36, %add3A_33 : vector<16xi32>
    %min3A_38 = vector.broadcast %jit3A_35 : i32 to vector<16xi32>
    %min3A_39 = arith.minsi %min3A_38, %max3A_37 : vector<16xi32>
    tpu.vector_store_idx %arg15[%min3A_39], %gather3A : memref<1040xi32, #tpu.memory_space<vmem>>[vector<16xi32>], vector<16xi32>,
    tpu.vector_store_idx %arg16[%min3A_39], %gather3A_31 : memref<1040xi32, #tpu.memory_space<vmem>>[vector<16xi32>], vector<16xi32>,
    %jit3A_40 = arith.constant 8 : i32
    %div3A = vector.broadcast %jit3A_40 : i32 to vector<16xi32>
    %div3A_41 = arith.divsi %min3A_39, %div3A : vector<16xi32>
    %sign3A = arith.constant 0 : i32
    %sign3A_42 = vector.broadcast %sign3A : i32 to vector<16xi32>
    %sign3A_43 = arith.cmpi sgt, %min3A_39, %sign3A_42 : vector<16xi32>
    %sign3A_44 = arith.extui %sign3A_43 : vector<16xi1> to vector<16xi32>
    %sign3A_45 = arith.constant 0 : i32
    %sign3A_46 = vector.broadcast %sign3A_45 : i32 to vector<16xi32>
    %sign3A_47 = arith.cmpi slt, %min3A_39, %sign3A_46 : vector<16xi32>
    %sign3A_48 = arith.extui %sign3A_47 : vector<16xi1> to vector<16xi32>
    %sign3A_49 = arith.subi %sign3A_44, %sign3A_48 : vector<16xi32>
    %sign3A_50 = arith.constant 0 : i32
    %sign3A_51 = arith.cmpi sgt, %jit3A_40, %sign3A_50 : i32
    %sign3A_52 = arith.extui %sign3A_51 : i1 to i32
    %sign3A_53 = arith.constant 0 : i32
    %sign3A_54 = arith.cmpi slt, %jit3A_40, %sign3A_53 : i32
    %sign3A_55 = arith.extui %sign3A_54 : i1 to i32
    %sign3A_56 = arith.subi %sign3A_52, %sign3A_55 : i32
    %ne3A = vector.broadcast %sign3A_56 : i32 to vector<16xi32>
    %ne3A_57 = arith.cmpi ne, %sign3A_49, %ne3A : vector<16xi32>
    %rem3A = vector.broadcast %jit3A_40 : i32 to vector<16xi32>
    %rem3A_58 = arith.remsi %min3A_39, %rem3A : vector<16xi32>
    %ne3A_59 = arith.constant 0 : i32
    %ne3A_60 = vector.broadcast %ne3A_59 : i32 to vector<16xi32>
    %ne3A_61 = arith.cmpi ne, %rem3A_58, %ne3A_60 : vector<16xi32>
    %and3A = arith.andi %ne3A_57, %ne3A_61 : vector<16xi1>
    %sub3A_62 = arith.constant 1 : i32
    %sub3A_63 = vector.broadcast %sub3A_62 : i32 to vector<16xi32>
    %sub3A_64 = arith.subi %div3A_41, %sub3A_63 : vector<16xi32>
    %select_n3A = arith.select %and3A, %sub3A_64, %div3A_41 : vector<16xi1>, vector<16xi32>
    %jit3A_65 = arith.constant 8 : i32
    %div3A_66 = vector.broadcast %jit3A_65 : i32 to vector<16xi32>
    %div3A_67 = arith.divsi %min3A_39, %div3A_66 : vector<16xi32>
    %sign3A_68 = arith.constant 0 : i32
    %sign3A_69 = vector.broadcast %sign3A_68 : i32 to vector<16xi32>
    %sign3A_70 = arith.cmpi sgt, %min3A_39, %sign3A_69 : vector<16xi32>
    %sign3A_71 = arith.extui %sign3A_70 : vector<16xi1> to vector<16xi32>
    %sign3A_72 = arith.constant 0 : i32
    %sign3A_73 = vector.broadcast %sign3A_72 : i32 to vector<16xi32>
    %sign3A_74 = arith.cmpi slt, %min3A_39, %sign3A_73 : vector<16xi32>
    %sign3A_75 = arith.extui %sign3A_74 : vector<16xi1> to vector<16xi32>
    %sign3A_76 = arith.subi %sign3A_71, %sign3A_75 : vector<16xi32>
    %sign3A_77 = arith.constant 0 : i32
    %sign3A_78 = arith.cmpi sgt, %jit3A_65, %sign3A_77 : i32
    %sign3A_79 = arith.extui %sign3A_78 : i1 to i32
    %sign3A_80 = arith.constant 0 : i32
    %sign3A_81 = arith.cmpi slt, %jit3A_65, %sign3A_80 : i32
    %sign3A_82 = arith.extui %sign3A_81 : i1 to i32
    %sign3A_83 = arith.subi %sign3A_79, %sign3A_82 : i32
    %ne3A_84 = vector.broadcast %sign3A_83 : i32 to vector<16xi32>
    %ne3A_85 = arith.cmpi ne, %sign3A_76, %ne3A_84 : vector<16xi32>
    %rem3A_86 = vector.broadcast %jit3A_65 : i32 to vector<16xi32>
    %rem3A_87 = arith.remsi %min3A_39, %rem3A_86 : vector<16xi32>
    %ne3A_88 = arith.constant 0 : i32
    %ne3A_89 = vector.broadcast %ne3A_88 : i32 to vector<16xi32>
    %ne3A_90 = arith.cmpi ne, %rem3A_87, %ne3A_89 : vector<16xi32>
    %and3A_91 = arith.andi %ne3A_85, %ne3A_90 : vector<16xi1>
    %sub3A_92 = arith.constant 1 : i32
    %sub3A_93 = vector.broadcast %sub3A_92 : i32 to vector<16xi32>
    %sub3A_94 = arith.subi %div3A_67, %sub3A_93 : vector<16xi32>
    %select_n3A_95 = arith.select %and3A_91, %sub3A_94, %div3A_67 : vector<16xi1>, vector<16xi32>
    %mul3A_96 = arith.constant 8 : i32
    %mul3A_97 = vector.broadcast %mul3A_96 : i32 to vector<16xi32>
    %mul3A_98 = arith.muli %select_n3A_95, %mul3A_97 : vector<16xi32>
    %sub3A_99 = arith.subi %min3A_39, %mul3A_98 : vector<16xi32>
    tpu.vector_store_idx %arg17[%select_n3A, %sub3A_99], %gather3A_31 : memref<130x8xi32, #tpu.memory_space<vmem>>[vector<16xi32>, vector<16xi32>], vector<16xi32>,
    %broadcast_in_dim3A_100 = vector.broadcast %scan3A_27 : i32 to vector<16xi32>
    %swap3A = arith.constant 0 : index
    %swap3A_101 = tpu.vector_load %arg18[%swap3A] {strides = array<i32>} : memref<16xi32, #tpu.memory_space<vmem>>, vector<16xi32>,
    tpu.vector_store %arg18[%swap3A], %broadcast_in_dim3A_100 {strides = array<i32>} : memref<16xi32, #tpu.memory_space<vmem>>, vector<16xi32>,
    "tpu.region"() ({
      %run_scoped3A = tpu.sem_alloc : memref<!tpu.dma_semaphore, #tpu.memory_space<semaphore_mem>>
      %dma_start3A = arith.constant 0 : i32
      %dma_start3A_149 = tpu.memref_slice %arg9[%add3A, %dma_start3A] : memref<32x1040xi32, #tpu.memory_space<hbm>> -> memref<1x1040xi32, #tpu.memory_space<hbm>>
      %dma_start3A_150 = tpu.memref_squeeze %dma_start3A_149 : memref<1x1040xi32, #tpu.memory_space<hbm>> -> memref<1040xi32, #tpu.memory_space<hbm>>
      %dma_start3A_151 = arith.constant 0 : i32
      %dma_start3A_152 = tpu.memref_slice %arg9[%add3A, %dma_start3A_151] : memref<32x1040xi32, #tpu.memory_space<hbm>> -> memref<1x1040xi32, #tpu.memory_space<hbm>>
      %dma_start3A_153 = tpu.memref_squeeze %dma_start3A_152 : memref<1x1040xi32, #tpu.memory_space<hbm>> -> memref<1040xi32, #tpu.memory_space<hbm>>
      tpu.enqueue_dma source(%arg15 : memref<1040xi32, #tpu.memory_space<vmem>>) target(%dma_start3A_153 : memref<1040xi32, #tpu.memory_space<hbm>>) target_semaphore(%run_scoped3A : memref<!tpu.dma_semaphore, #tpu.memory_space<semaphore_mem>>)
      %dma_wait3A = arith.constant 0 : i32
      %dma_wait3A_154 = tpu.memref_slice %arg9[%add3A, %dma_wait3A] : memref<32x1040xi32, #tpu.memory_space<hbm>> -> memref<1x1040xi32, #tpu.memory_space<hbm>>
      %dma_wait3A_155 = tpu.memref_squeeze %dma_wait3A_154 : memref<1x1040xi32, #tpu.memory_space<hbm>> -> memref<1040xi32, #tpu.memory_space<hbm>>
      %dma_wait3A_156 = arith.constant 0 : i32
      %dma_wait3A_157 = tpu.memref_slice %arg9[%add3A, %dma_wait3A_156] : memref<32x1040xi32, #tpu.memory_space<hbm>> -> memref<1x1040xi32, #tpu.memory_space<hbm>>
      %dma_wait3A_158 = tpu.memref_squeeze %dma_wait3A_157 : memref<1x1040xi32, #tpu.memory_space<hbm>> -> memref<1040xi32, #tpu.memory_space<hbm>>
      tpu.wait_dma2 semaphore(%run_scoped3A : memref<!tpu.dma_semaphore, #tpu.memory_space<semaphore_mem>>) src(%arg15 : memref<1040xi32, #tpu.memory_space<vmem>>) dst(%dma_wait3A_158 : memref<1040xi32, #tpu.memory_space<hbm>>)
      tpu.yield
    }) : () -> ()
    "tpu.region"() ({
      %run_scoped3A = tpu.sem_alloc : memref<!tpu.dma_semaphore, #tpu.memory_space<semaphore_mem>>
      %dma_start3A = arith.constant 0 : i32
      %dma_start3A_149 = arith.constant 0 : i32
      %dma_start3A_150 = tpu.memref_slice %arg10[%add3A, %dma_start3A, %dma_start3A_149] : memref<32x130x8xi32, #tpu.memory_space<hbm>> -> memref<1x130x8xi32, #tpu.memory_space<hbm>>
      %dma_start3A_151 = tpu.memref_squeeze %dma_start3A_150 : memref<1x130x8xi32, #tpu.memory_space<hbm>> -> memref<130x8xi32, #tpu.memory_space<hbm>>
      %dma_start3A_152 = arith.constant 0 : i32
      %dma_start3A_153 = arith.constant 0 : i32
      %dma_start3A_154 = tpu.memref_slice %arg10[%add3A, %dma_start3A_152, %dma_start3A_153] : memref<32x130x8xi32, #tpu.memory_space<hbm>> -> memref<1x130x8xi32, #tpu.memory_space<hbm>>
      %dma_start3A_155 = tpu.memref_squeeze %dma_start3A_154 : memref<1x130x8xi32, #tpu.memory_space<hbm>> -> memref<130x8xi32, #tpu.memory_space<hbm>>
      tpu.enqueue_dma source(%arg17 : memref<130x8xi32, #tpu.memory_space<vmem>>) target(%dma_start3A_155 : memref<130x8xi32, #tpu.memory_space<hbm>>) target_semaphore(%run_scoped3A : memref<!tpu.dma_semaphore, #tpu.memory_space<semaphore_mem>>)
      %dma_wait3A = arith.constant 0 : i32
      %dma_wait3A_156 = arith.constant 0 : i32
      %dma_wait3A_157 = tpu.memref_slice %arg10[%add3A, %dma_wait3A, %dma_wait3A_156] : memref<32x130x8xi32, #tpu.memory_space<hbm>> -> memref<1x130x8xi32, #tpu.memory_space<hbm>>
      %dma_wait3A_158 = tpu.memref_squeeze %dma_wait3A_157 : memref<1x130x8xi32, #tpu.memory_space<hbm>> -> memref<130x8xi32, #tpu.memory_space<hbm>>
      %dma_wait3A_159 = arith.constant 0 : i32
      %dma_wait3A_160 = arith.constant 0 : i32
      %dma_wait3A_161 = tpu.memref_slice %arg10[%add3A, %dma_wait3A_159, %dma_wait3A_160] : memref<32x130x8xi32, #tpu.memory_space<hbm>> -> memref<1x130x8xi32, #tpu.memory_space<hbm>>
      %dma_wait3A_162 = tpu.memref_squeeze %dma_wait3A_161 : memref<1x130x8xi32, #tpu.memory_space<hbm>> -> memref<130x8xi32, #tpu.memory_space<hbm>>
      tpu.wait_dma2 semaphore(%run_scoped3A : memref<!tpu.dma_semaphore, #tpu.memory_space<semaphore_mem>>) src(%arg17 : memref<130x8xi32, #tpu.memory_space<vmem>>) dst(%dma_wait3A_162 : memref<130x8xi32, #tpu.memory_space<hbm>>)
      tpu.yield
    }) : () -> ()
    "tpu.region"() ({
      %run_scoped3A = tpu.sem_alloc : memref<!tpu.dma_semaphore, #tpu.memory_space<semaphore_mem>>
      %dma_start3A = arith.constant 0 : i32
      %dma_start3A_149 = tpu.memref_slice %arg11[%add3A, %dma_start3A] : memref<32x16xi32, #tpu.memory_space<hbm>> -> memref<1x16xi32, #tpu.memory_space<hbm>>
      %dma_start3A_150 = tpu.memref_squeeze %dma_start3A_149 : memref<1x16xi32, #tpu.memory_space<hbm>> -> memref<16xi32, #tpu.memory_space<hbm>>
      %dma_start3A_151 = arith.constant 0 : i32
      %dma_start3A_152 = tpu.memref_slice %arg11[%add3A, %dma_start3A_151] : memref<32x16xi32, #tpu.memory_space<hbm>> -> memref<1x16xi32, #tpu.memory_space<hbm>>
      %dma_start3A_153 = tpu.memref_squeeze %dma_start3A_152 : memref<1x16xi32, #tpu.memory_space<hbm>> -> memref<16xi32, #tpu.memory_space<hbm>>
      tpu.enqueue_dma source(%arg18 : memref<16xi32, #tpu.memory_space<vmem>>) target(%dma_start3A_153 : memref<16xi32, #tpu.memory_space<hbm>>) target_semaphore(%run_scoped3A : memref<!tpu.dma_semaphore, #tpu.memory_space<semaphore_mem>>)
      %dma_wait3A = arith.constant 0 : i32
      %dma_wait3A_154 = tpu.memref_slice %arg11[%add3A, %dma_wait3A] : memref<32x16xi32, #tpu.memory_space<hbm>> -> memref<1x16xi32, #tpu.memory_space<hbm>>
      %dma_wait3A_155 = tpu.memref_squeeze %dma_wait3A_154 : memref<1x16xi32, #tpu.memory_space<hbm>> -> memref<16xi32, #tpu.memory_space<hbm>>
      %dma_wait3A_156 = arith.constant 0 : i32
      %dma_wait3A_157 = tpu.memref_slice %arg11[%add3A, %dma_wait3A_156] : memref<32x16xi32, #tpu.memory_space<hbm>> -> memref<1x16xi32, #tpu.memory_space<hbm>>
      %dma_wait3A_158 = tpu.memref_squeeze %dma_wait3A_157 : memref<1x16xi32, #tpu.memory_space<hbm>> -> memref<16xi32, #tpu.memory_space<hbm>>
      tpu.wait_dma2 semaphore(%run_scoped3A : memref<!tpu.dma_semaphore, #tpu.memory_space<semaphore_mem>>) src(%arg18 : memref<16xi32, #tpu.memory_space<vmem>>) dst(%dma_wait3A_158 : memref<16xi32, #tpu.memory_space<hbm>>)
      tpu.yield
    }) : () -> ()
    %add3A_102 = arith.constant 16 : i32
    %add3A_103 = arith.addi %scan3A_27, %add3A_102 : i32
    %sub3A_104 = arith.constant 1 : i32
    %sub3A_105 = arith.subi %add3A_103, %sub3A_104 : i32
    %jit3A_106 = arith.constant 16 : i32
    %div3A_107 = arith.divsi %sub3A_105, %jit3A_106 : i32
    %sign3A_108 = arith.constant 0 : i32
    %sign3A_109 = arith.cmpi sgt, %sub3A_105, %sign3A_108 : i32
    %sign3A_110 = arith.extui %sign3A_109 : i1 to i32
    %sign3A_111 = arith.constant 0 : i32
    %sign3A_112 = arith.cmpi slt, %sub3A_105, %sign3A_111 : i32
    %sign3A_113 = arith.extui %sign3A_112 : i1 to i32
    %sign3A_114 = arith.subi %sign3A_110, %sign3A_113 : i32
    %sign3A_115 = arith.constant 0 : i32
    %sign3A_116 = arith.cmpi sgt, %jit3A_106, %sign3A_115 : i32
    %sign3A_117 = arith.extui %sign3A_116 : i1 to i32
    %sign3A_118 = arith.constant 0 : i32
    %sign3A_119 = arith.cmpi slt, %jit3A_106, %sign3A_118 : i32
    %sign3A_120 = arith.extui %sign3A_119 : i1 to i32
    %sign3A_121 = arith.subi %sign3A_117, %sign3A_120 : i32
    %ne3A_122 = arith.cmpi ne, %sign3A_114, %sign3A_121 : i32
    %rem3A_123 = arith.remsi %sub3A_105, %jit3A_106 : i32
    %ne3A_124 = arith.constant 0 : i32
    %ne3A_125 = arith.cmpi ne, %rem3A_123, %ne3A_124 : i32
    %and3A_126 = arith.andi %ne3A_122, %ne3A_125 : i1
    %sub3A_127 = arith.constant 1 : i32
    %sub3A_128 = arith.subi %div3A_107, %sub3A_127 : i32
    %select_n3A_129 = arith.select %and3A_126, %sub3A_128, %div3A_107 : i32
    %while3A = arith.constant 0 : i32
    %while3A_130 = arith.constant 0 : i32
    %while3A_131 = arith.subi %select_n3A_129, %while3A : i32
    %while3A_132 = arith.addi %while3A, %while3A_131 : i32
    %while3A_133 = arith.constant 1 : i32
    %while3A_134 = arith.divsi %while3A_131, %while3A_133 : i32
    %while3A_135 = arith.muli %while3A_134, %while3A_133 : i32
    %while3A_136 = arith.addi %while3A, %while3A_135 : i32
    %while3A_137 = arith.constant 1 : i32
    %while3A_138 = scf.for %while3A_149 = %while3A to %while3A_136 step %while3A_137 iter_args(%while3A_150 = %while3A_130) -> (i32)  : i32 {
      %mul3A_151 = arith.constant 16 : i32
      %mul3A_152 = arith.muli %while3A_149, %mul3A_151 : i32
      %get3A = arith.index_cast %mul3A_152 : i32 to index
      %get3A_153 = tpu.vector_load %arg15[%get3A] {strides = array<i32>} : memref<1040xi32, #tpu.memory_space<vmem>>, vector<16xi32>,
      %mul3A_154 = arith.constant 16 : i32
      %mul3A_155 = arith.muli %while3A_149, %mul3A_154 : i32
      %get3A_156 = arith.index_cast %mul3A_155 : i32 to index
      %get3A_157 = tpu.vector_load %arg16[%get3A_156] {strides = array<i32>} : memref<1040xi32, #tpu.memory_space<vmem>>, vector<16xi32>,
      %sub3A_158 = vector.broadcast %mul3A_2 : i32 to vector<16xi32>
      %sub3A_159 = arith.subi %get3A_157, %sub3A_158 : vector<16xi32>
      %gather3A_160 = tpu.vector_load_idx %arg19[%get3A_153] : memref<1024xf32, #tpu.memory_space<vmem>>[vector<16xi32>], vector<16xf32>,
      tpu.vector_store_idx %arg21[%sub3A_159], %gather3A_160 : memref<1568xf32, #tpu.memory_space<vmem>>[vector<16xi32>], vector<16xf32>,
      %gather3A_161 = tpu.vector_load_idx %arg20[%get3A_153] : memref<1024xi32, #tpu.memory_space<vmem>>[vector<16xi32>], vector<16xi32>,
      tpu.vector_store_idx %arg22[%sub3A_159], %gather3A_161 : memref<1568xi32, #tpu.memory_space<vmem>>[vector<16xi32>], vector<16xi32>,
      %while3A_162 = arith.constant 0 : i32
      scf.yield %while3A_162 : i32
    }
    %while3A_139 = arith.constant 1 : i32
    %while3A_140 = scf.for %while3A_149 = %while3A_136 to %while3A_132 step %while3A_139 iter_args(%while3A_150 = %while3A_138) -> (i32)  : i32 {
      %mul3A_151 = arith.constant 16 : i32
      %mul3A_152 = arith.muli %while3A_149, %mul3A_151 : i32
      %get3A = arith.index_cast %mul3A_152 : i32 to index
      %get3A_153 = tpu.vector_load %arg15[%get3A] {strides = array<i32>} : memref<1040xi32, #tpu.memory_space<vmem>>, vector<16xi32>,
      %mul3A_154 = arith.constant 16 : i32
      %mul3A_155 = arith.muli %while3A_149, %mul3A_154 : i32
      %get3A_156 = arith.index_cast %mul3A_155 : i32 to index
      %get3A_157 = tpu.vector_load %arg16[%get3A_156] {strides = array<i32>} : memref<1040xi32, #tpu.memory_space<vmem>>, vector<16xi32>,
      %sub3A_158 = vector.broadcast %mul3A_2 : i32 to vector<16xi32>
      %sub3A_159 = arith.subi %get3A_157, %sub3A_158 : vector<16xi32>
      %gather3A_160 = tpu.vector_load_idx %arg19[%get3A_153] : memref<1024xf32, #tpu.memory_space<vmem>>[vector<16xi32>], vector<16xf32>,
      tpu.vector_store_idx %arg21[%sub3A_159], %gather3A_160 : memref<1568xf32, #tpu.memory_space<vmem>>[vector<16xi32>], vector<16xf32>,
      %gather3A_161 = tpu.vector_load_idx %arg20[%get3A_153] : memref<1024xi32, #tpu.memory_space<vmem>>[vector<16xi32>], vector<16xi32>,
      tpu.vector_store_idx %arg22[%sub3A_159], %gather3A_161 : memref<1568xi32, #tpu.memory_space<vmem>>[vector<16xi32>], vector<16xi32>,
      %while3A_162 = arith.constant 0 : i32
      scf.yield %while3A_162 : i32
    }
    %not3A_141 = arith.constant true
    %not3A_142 = arith.xori %eq3A_3, %not3A_141 : i1
    %convert_element_type3A_143 = arith.extui %not3A_142 : i1 to i32
    %cond3A_144 = arith.constant 0 : i32
    %cond3A_145 = arith.cmpi ne, %convert_element_type3A_143, %cond3A_144 : i32
    scf.if %cond3A_145 {
      "tpu.region"() ({
        %run_scoped3A = tpu.sem_alloc : memref<!tpu.dma_semaphore, #tpu.memory_space<semaphore_mem>>
        %dma_start3A = arith.constant 0 : i32
        %dma_start3A_149 = tpu.memref_slice %arg21[%dma_start3A] : memref<1568xf32, #tpu.memory_space<vmem>> -> memref<1568xf32, #tpu.memory_space<vmem>>
        %dma_start3A_150 = tpu.memref_slice %arg7[%mul3A_2] : memref<50000xf32, #tpu.memory_space<hbm>> -> memref<1568xf32, #tpu.memory_space<hbm>>
        %dma_start3A_151 = tpu.memref_slice %arg7[%mul3A_2] : memref<50000xf32, #tpu.memory_space<hbm>> -> memref<1568xf32, #tpu.memory_space<hbm>>
        %dma_start3A_152 = arith.constant 0 : i32
        %dma_start3A_153 = tpu.memref_slice %arg21[%dma_start3A_152] : memref<1568xf32, #tpu.memory_space<vmem>> -> memref<1568xf32, #tpu.memory_space<vmem>>
        tpu.enqueue_dma source(%dma_start3A_153 : memref<1568xf32, #tpu.memory_space<vmem>>) target(%dma_start3A_151 : memref<1568xf32, #tpu.memory_space<hbm>>) target_semaphore(%run_scoped3A : memref<!tpu.dma_semaphore, #tpu.memory_space<semaphore_mem>>)
        %dma_wait3A = arith.constant 0 : i32
        %dma_wait3A_154 = tpu.memref_slice %arg21[%dma_wait3A] : memref<1568xf32, #tpu.memory_space<vmem>> -> memref<1568xf32, #tpu.memory_space<vmem>>
        %dma_wait3A_155 = tpu.memref_slice %arg7[%mul3A_2] : memref<50000xf32, #tpu.memory_space<hbm>> -> memref<1568xf32, #tpu.memory_space<hbm>>
        %dma_wait3A_156 = tpu.memref_slice %arg7[%mul3A_2] : memref<50000xf32, #tpu.memory_space<hbm>> -> memref<1568xf32, #tpu.memory_space<hbm>>
        %dma_wait3A_157 = arith.constant 0 : i32
        %dma_wait3A_158 = tpu.memref_slice %arg21[%dma_wait3A_157] : memref<1568xf32, #tpu.memory_space<vmem>> -> memref<1568xf32, #tpu.memory_space<vmem>>
        tpu.wait_dma2 semaphore(%run_scoped3A : memref<!tpu.dma_semaphore, #tpu.memory_space<semaphore_mem>>) src(%dma_wait3A_158 : memref<1568xf32, #tpu.memory_space<vmem>>) dst(%dma_wait3A_156 : memref<1568xf32, #tpu.memory_space<hbm>>)
        tpu.yield
      }) : () -> ()
      "tpu.region"() ({
        %run_scoped3A = tpu.sem_alloc : memref<!tpu.dma_semaphore, #tpu.memory_space<semaphore_mem>>
        %dma_start3A = arith.constant 0 : i32
        %dma_start3A_149 = tpu.memref_slice %arg22[%dma_start3A] : memref<1568xi32, #tpu.memory_space<vmem>> -> memref<1568xi32, #tpu.memory_space<vmem>>
        %dma_start3A_150 = tpu.memref_slice %arg8[%mul3A_2] : memref<50000xi32, #tpu.memory_space<hbm>> -> memref<1568xi32, #tpu.memory_space<hbm>>
        %dma_start3A_151 = tpu.memref_slice %arg8[%mul3A_2] : memref<50000xi32, #tpu.memory_space<hbm>> -> memref<1568xi32, #tpu.memory_space<hbm>>
        %dma_start3A_152 = arith.constant 0 : i32
        %dma_start3A_153 = tpu.memref_slice %arg22[%dma_start3A_152] : memref<1568xi32, #tpu.memory_space<vmem>> -> memref<1568xi32, #tpu.memory_space<vmem>>
        tpu.enqueue_dma source(%dma_start3A_153 : memref<1568xi32, #tpu.memory_space<vmem>>) target(%dma_start3A_151 : memref<1568xi32, #tpu.memory_space<hbm>>) target_semaphore(%run_scoped3A : memref<!tpu.dma_semaphore, #tpu.memory_space<semaphore_mem>>)
        %dma_wait3A = arith.constant 0 : i32
        %dma_wait3A_154 = tpu.memref_slice %arg22[%dma_wait3A] : memref<1568xi32, #tpu.memory_space<vmem>> -> memref<1568xi32, #tpu.memory_space<vmem>>
        %dma_wait3A_155 = tpu.memref_slice %arg8[%mul3A_2] : memref<50000xi32, #tpu.memory_space<hbm>> -> memref<1568xi32, #tpu.memory_space<hbm>>
        %dma_wait3A_156 = tpu.memref_slice %arg8[%mul3A_2] : memref<50000xi32, #tpu.memory_space<hbm>> -> memref<1568xi32, #tpu.memory_space<hbm>>
        %dma_wait3A_157 = arith.constant 0 : i32
        %dma_wait3A_158 = tpu.memref_slice %arg22[%dma_wait3A_157] : memref<1568xi32, #tpu.memory_space<vmem>> -> memref<1568xi32, #tpu.memory_space<vmem>>
        tpu.wait_dma2 semaphore(%run_scoped3A : memref<!tpu.dma_semaphore, #tpu.memory_space<semaphore_mem>>) src(%dma_wait3A_158 : memref<1568xi32, #tpu.memory_space<vmem>>) dst(%dma_wait3A_156 : memref<1568xi32, #tpu.memory_space<hbm>>)
        tpu.yield
      }) : () -> ()
    } else {
    }
    %convert_element_type3A_146 = arith.extui %eq3A_3 : i1 to i32
    %cond3A_147 = arith.constant 0 : i32
    %cond3A_148 = arith.cmpi ne, %convert_element_type3A_146, %cond3A_147 : i32
    scf.if %cond3A_148 {
      "tpu.region"() ({
        %run_scoped3A = tpu.sem_alloc : memref<!tpu.dma_semaphore, #tpu.memory_space<semaphore_mem>>
        %dma_start3A = arith.constant 0 : i32
        %dma_start3A_149 = tpu.memref_slice %arg21[%dma_start3A] : memref<1568xf32, #tpu.memory_space<vmem>> -> memref<1392xf32, #tpu.memory_space<vmem>>
        %dma_start3A_150 = tpu.memref_slice %arg7[%mul3A_2] : memref<50000xf32, #tpu.memory_space<hbm>> -> memref<1392xf32, #tpu.memory_space<hbm>>
        %dma_start3A_151 = tpu.memref_slice %arg7[%mul3A_2] : memref<50000xf32, #tpu.memory_space<hbm>> -> memref<1392xf32, #tpu.memory_space<hbm>>
        %dma_start3A_152 = arith.constant 0 : i32
        %dma_start3A_153 = tpu.memref_slice %arg21[%dma_start3A_152] : memref<1568xf32, #tpu.memory_space<vmem>> -> memref<1392xf32, #tpu.memory_space<vmem>>
        tpu.enqueue_dma source(%dma_start3A_153 : memref<1392xf32, #tpu.memory_space<vmem>>) target(%dma_start3A_151 : memref<1392xf32, #tpu.memory_space<hbm>>) target_semaphore(%run_scoped3A : memref<!tpu.dma_semaphore, #tpu.memory_space<semaphore_mem>>)
        %dma_wait3A = arith.constant 0 : i32
        %dma_wait3A_154 = tpu.memref_slice %arg21[%dma_wait3A] : memref<1568xf32, #tpu.memory_space<vmem>> -> memref<1392xf32, #tpu.memory_space<vmem>>
        %dma_wait3A_155 = tpu.memref_slice %arg7[%mul3A_2] : memref<50000xf32, #tpu.memory_space<hbm>> -> memref<1392xf32, #tpu.memory_space<hbm>>
        %dma_wait3A_156 = tpu.memref_slice %arg7[%mul3A_2] : memref<50000xf32, #tpu.memory_space<hbm>> -> memref<1392xf32, #tpu.memory_space<hbm>>
        %dma_wait3A_157 = arith.constant 0 : i32
        %dma_wait3A_158 = tpu.memref_slice %arg21[%dma_wait3A_157] : memref<1568xf32, #tpu.memory_space<vmem>> -> memref<1392xf32, #tpu.memory_space<vmem>>
        tpu.wait_dma2 semaphore(%run_scoped3A : memref<!tpu.dma_semaphore, #tpu.memory_space<semaphore_mem>>) src(%dma_wait3A_158 : memref<1392xf32, #tpu.memory_space<vmem>>) dst(%dma_wait3A_156 : memref<1392xf32, #tpu.memory_space<hbm>>)
        tpu.yield
      }) : () -> ()
      "tpu.region"() ({
        %run_scoped3A = tpu.sem_alloc : memref<!tpu.dma_semaphore, #tpu.memory_space<semaphore_mem>>
        %dma_start3A = arith.constant 0 : i32
        %dma_start3A_149 = tpu.memref_slice %arg22[%dma_start3A] : memref<1568xi32, #tpu.memory_space<vmem>> -> memref<1392xi32, #tpu.memory_space<vmem>>
        %dma_start3A_150 = tpu.memref_slice %arg8[%mul3A_2] : memref<50000xi32, #tpu.memory_space<hbm>> -> memref<1392xi32, #tpu.memory_space<hbm>>
        %dma_start3A_151 = tpu.memref_slice %arg8[%mul3A_2] : memref<50000xi32, #tpu.memory_space<hbm>> -> memref<1392xi32, #tpu.memory_space<hbm>>
        %dma_start3A_152 = arith.constant 0 : i32
        %dma_start3A_153 = tpu.memref_slice %arg22[%dma_start3A_152] : memref<1568xi32, #tpu.memory_space<vmem>> -> memref<1392xi32, #tpu.memory_space<vmem>>
        tpu.enqueue_dma source(%dma_start3A_153 : memref<1392xi32, #tpu.memory_space<vmem>>) target(%dma_start3A_151 : memref<1392xi32, #tpu.memory_space<hbm>>) target_semaphore(%run_scoped3A : memref<!tpu.dma_semaphore, #tpu.memory_space<semaphore_mem>>)
        %dma_wait3A = arith.constant 0 : i32
        %dma_wait3A_154 = tpu.memref_slice %arg22[%dma_wait3A] : memref<1568xi32, #tpu.memory_space<vmem>> -> memref<1392xi32, #tpu.memory_space<vmem>>
        %dma_wait3A_155 = tpu.memref_slice %arg8[%mul3A_2] : memref<50000xi32, #tpu.memory_space<hbm>> -> memref<1392xi32, #tpu.memory_space<hbm>>
        %dma_wait3A_156 = tpu.memref_slice %arg8[%mul3A_2] : memref<50000xi32, #tpu.memory_space<hbm>> -> memref<1392xi32, #tpu.memory_space<hbm>>
        %dma_wait3A_157 = arith.constant 0 : i32
        %dma_wait3A_158 = tpu.memref_slice %arg22[%dma_wait3A_157] : memref<1568xi32, #tpu.memory_space<vmem>> -> memref<1392xi32, #tpu.memory_space<vmem>>
        tpu.wait_dma2 semaphore(%run_scoped3A : memref<!tpu.dma_semaphore, #tpu.memory_space<semaphore_mem>>) src(%dma_wait3A_158 : memref<1392xi32, #tpu.memory_space<vmem>>) dst(%dma_wait3A_156 : memref<1392xi32, #tpu.memory_space<hbm>>)
        tpu.yield
      }) : () -> ()
    } else {
    }
    return
  }
}

</mosaic_0001>

<sc_bundles>
// kernel: kernel.4.cloned.1.call-start
scs
__scs_entry_jumppad:
0x0: {  	(pc) =	sbr.rel $0x88, $3  }
0x1: {  	(tag) =	ssettag $0x0;
	lr =	simm.s32 $0x1  }
0x2: {  	[smem:$0x3F9A] =	sst lr;
	_ =	strace $0xD0000000  }
0x3: {  	_ = 	snop  }
0x4: {  	_ = 	snop  }
0x5: {  	_ = 	snop  }
0x6: {  	_ = 	snop  }
0x7: {  	_ = 	snop  }
__scs_overlays_trampoline_lowered:
0x8: {  	[smem:$0x3FA9] =	sst s0  }
0x9: {  	[smem:$0x3FAA] =	sst s1  }
0xa: {  	[smem:$0x3FAB] =	sst s2  }
0xb: {  	[smem:$0x3FAC] =	sst s3  }
0xc: {  	[smem:$0x3FAD] =	sst s4  }
0xd: {  	[smem:$0x3FAE] =	sst s5  }
0xe: {  	[smem:$0x3FAF] =	sst s6  }
0xf: {  	[smem:$0x3FB0] =	sst s7  }
0x10: {  	[smem:$0x3FB1] =	sst s8  }
0x11: {  	[smem:$0x3FB2] =	sst s9;
	s0 =	simm.s32 @!p0 $0x0  }
0x12: {  	s1 =	sld [smem:$0x3F98];
	s0 =	simm.s32 @p0 $0x1  }
0x13: {  	[smem:$0x3FB3] =	sst s0;
	s0 =	simm.s32 @!p1 $0x0  }
0x14: {  	s2 =	sld [smem:$0x3F97];
	s0 =	simm.s32 @p1 $0x1  }
0x15: {  	[smem:$0x3FB4] =	sst s0;
	s0 =	simm.s32 @!p2 $0x0  }
0x16: {  	s3 =	sld [smem:$0x3FDB];
	s0 =	simm.s32 @p2 $0x1  }
0x17: {  	s4 =	simm.s32 $0x1BF5;
	[smem:$0x3FB6] =	sst s0  }
0x18: {  	s0 =	sld [smem:$0x3F99];
	_ =	swait.ge [sflag:s4], $0x0  }
0x19: {  	s7 =	sld [smem:$0x3F9A]  }
0x1a: {  	s8 =	sadd.s32 $0xFFFFE003, lr  }
0x1b: {  	s9 =	sadd.s32 $0xFFFFFEF7, lr;
	s5 =	simm.s32 $0xFFFFFFFF;
	p2 =	slt.u32 s8, $0xFFFFF086  }
0x1c: {  	p1 =	slt.u32 s9, $0xF7A;
	s5 =	simm.s32 @!p2 $0x0  }
0x1d: {  	s5 =	simm.s32 @p1 $0x1;
	p0 =	seq.s32 s7, s2  }
0x1e: {  	s7 =	smul.u32 @!p0 $0xF7A, s2;
	p2 =	seq.s32 @!p0 s5, $0x0  }
0x1f: {  	s9 =	smul.u32 $0xF7A, s1;
	s8 =	simm.s32 @!p0 $0x1BF5;
	p2 =	por !p2, p0  }
0x20: {  	[sflag:s8] =	ssyncset.s32 @!p0 $0xFFFFF086;
	s6 =	sadd.s32 @!p0 s3, s7;
	s7 =	simm.s32 @!p0 $0x108  }
0x21: {  	s3 =	sadd.s32 s3, s9;
	s6 =	sadd.s32 @!p0 $0x88, s6;
	s7 =	simm.s32 @p2 $0x1082  }
0x22: {  	[simem:s7], [sflag:s8] =	dma.local @!p0 [hbm:s6], $0xF7A  }
0x23: {  	s9 =	sor.u32 $0xD0000000, s2;
	s6 =	simm.s32 $0x108;
	_ =	swait.ge @!p0 [sflag:s8], $0x0  }
0x24: {  	s3 =	sadd.s32 $0x88, s3;
	s6 =	simm.s32 @!p1 $0x1082;
	[sflag:s4] =	ssyncset.s32 $0xFFFFF086  }
0x25: {  	[simem:s6], [sflag:s4] =	dma.local [hbm:s3], $0xF7A  }
0x26: {  	[smem:$0x3F9A] =	sst s1;
	(tag) =	ssettag s2;
	_ =	strace s9  }
0x27: {  	s1 =	sld [smem:$0x3FAA]  }
0x28: {  	s2 =	sld [smem:$0x3FAB]  }
0x29: {  	s4 =	sld [smem:$0x3FAD]  }
0x2a: {  	p0 =	seq.s32 s5, $0x0;
	s5 =	sld [smem:$0x3FAE]  }
0x2b: {  	s6 =	sld [smem:$0x3FAF]  }
0x2c: {  	s7 =	sld [smem:$0x3FB0]  }
0x2d: {  	s3 =	simm.s32 $0x108;
	s8 =	sld [smem:$0x3FB1]  }
0x2e: {  	s3 =	simm.s32 @!p0 $0x1082;
	s9 =	sld [smem:$0x3FB2]  }
0x2f: {  	lr =	sadd.s32 s0, s3;
	s0 =	sld [smem:$0x3FA9]  }
0x30: {  	s3 =	sld [smem:$0x3FAC]  }
0x31: {  	[smem:$0x3FB5] =	sst s10  }
0x32: {  	s10 =	sld [smem:$0x3FB3];
	_ =	sdelay $0x3  }
0x33: {  	p0 =	seq.s32 s10, $0x1;
	s10 =	sld [smem:$0x3FB5];
	_ =	sdelay $0x3  }
0x34: {  	[smem:$0x3FB5] =	sst s10  }
0x35: {  	s10 =	sld [smem:$0x3FB4];
	_ =	sdelay $0x3  }
0x36: {  	p1 =	seq.s32 s10, $0x1;
	s10 =	sld [smem:$0x3FB5];
	_ =	sdelay $0x3  }
0x37: {  	[smem:$0x3FB5] =	sst s10  }
0x38: {  	s10 =	sld [smem:$0x3FB6]  }
0x39: {  	_ = 	snop;
	(pc) =	sbr.ind lr, $3  }
0x3a: {  	_ = 	snop  }
0x3b: {  	_ = 	snop  }
0x3c: {  	p2 =	seq.s32 s10, $0x1;
	s10 =	sld [smem:$0x3FB5]  }
0x3d: {  	_ =	shalt  }
0x3e: {  	_ =	shalt  }
0x3f: {  	_ =	shalt  }
0x40: {  	_ =	shalt  }
0x41: {  	_ =	shalt  }
0x42: {  	_ =	shalt  }
0x43: {  	_ =	shalt  }
0x44: {  	_ =	shalt  }
0x45: {  	_ =	shalt  }
0x46: {  	_ =	shalt  }
0x47: {  	_ =	shalt  }
0x48: {  	_ =	shalt  }
0x49: {  	_ =	shalt  }
0x4a: {  	_ =	shalt  }
0x4b: {  	_ =	shalt  }
0x4c: {  	_ =	shalt  }
0x4d: {  	_ =	shalt  }
0x4e: {  	_ =	shalt  }
0x4f: {  	_ =	shalt  }
0x50: {  	_ =	shalt  }
0x51: {  	_ =	shalt  }
0x52: {  	_ =	shalt  }
0x53: {  	_ =	shalt  }
0x54: {  	_ =	shalt  }
0x55: {  	_ =	shalt  }
0x56: {  	_ =	shalt  }
0x57: {  	_ =	shalt  }
0x58: {  	_ =	shalt  }
0x59: {  	_ =	shalt  }
0x5a: {  	_ =	shalt  }
0x5b: {  	_ =	shalt  }
0x5c: {  	_ =	shalt  }
0x5d: {  	_ =	shalt  }
0x5e: {  	_ =	shalt  }
0x5f: {  	_ =	shalt  }
0x60: {  	_ =	shalt  }
0x61: {  	_ =	shalt  }
0x62: {  	_ =	shalt  }
0x63: {  	_ =	shalt  }
0x64: {  	_ =	shalt  }
0x65: {  	_ =	shalt  }
0x66: {  	_ =	shalt  }
0x67: {  	_ =	shalt  }
0x68: {  	_ =	shalt  }
0x69: {  	_ =	shalt  }
0x6a: {  	_ =	shalt  }
0x6b: {  	_ =	shalt  }
0x6c: {  	_ =	shalt  }
0x6d: {  	_ =	shalt  }
0x6e: {  	_ =	shalt  }
0x6f: {  	_ =	shalt  }
0x70: {  	_ =	shalt  }
0x71: {  	_ =	shalt  }
0x72: {  	_ =	shalt  }
0x73: {  	_ =	shalt  }
0x74: {  	_ =	shalt  }
0x75: {  	_ =	shalt  }
0x76: {  	_ =	shalt  }
0x77: {  	_ =	shalt  }
0x78: {  	_ =	shalt  }
0x79: {  	_ =	shalt  }
0x7a: {  	_ =	shalt  }
0x7b: {  	_ =	shalt  }
0x7c: {  	_ =	shalt  }
0x7d: {  	_ =	shalt  }
0x7e: {  	_ =	shalt  }
0x7f: {  	_ =	shalt  }
0x80: {  	_ =	shalt  }
0x81: {  	_ =	shalt  }
0x82: {  	_ =	shalt  }
0x83: {  	_ =	shalt  }
0x84: {  	_ =	shalt  }
0x85: {  	_ =	shalt  }
0x86: {  	_ =	shalt  }
0x87: {  	_ =	shalt  }
.Lfunc_end0:
.L_simem_size_0:
called_computation_lowered:
.L_overlay_start_0:
0x88: {  	s2 =	sld [smem:$0x3FD9]  }
0x89: {  	s3 =	sld [smem:$0x3FFE];
	_ =	sdelay $0x1  }
0x8a: {  	s1 =	srdreg.scid  }
0x8b: {  	s0 =	sand.u32 $0x1, s1  }
0x8c: {  	s14 =	sshll.u32 s0, $0xA;
	s2 =	sadd.s32 s3, s2  }
0x8d: {  	s2 =	sadd.s32 s2, s14  }
0x8e: {  	[smem:$0x3FC1] =	sst s2  }
0x8f: {  	_ = 	snop  }
0x90: {  	s2 =	sld [smem:$0x3FC8]  }
0x91: {  	s15 =	sld [smem:$0x3FC7]  }
0x92: {  	s4 =	sld [smem:$0x3FD0]  }
0x93: {  	s5 =	sld [smem:$0x3FC5]  }
0x94: {  	s6 =	sld [smem:$0x3FC4]  }
0x95: {  	s8 =	simm.s32 $0xA;
	s9 =	simm.s32 $0x10;
	s7 =	sld [smem:$0x3FC3]  }
0x96: {  	[smem:s9], [sflag:s8] =	dma.local [hbm:s4], $0x1  }
0x97: {  	_ =	swait.eq [sflag:s8], $0x1  }
0x98: {  	[sflag:s8] =	ssyncset.done $0x0  }
0x99: {  	s16 =	sld [smem:$0x11];
	[sflag:s8] =	ssyncadd.s32 $0xFFFFFFFF  }
0x9a: {  	s17 =	sld [smem:$0x12];
	(tm) =	ssettm $0x1  }
0x9b: {  	s18 =	sld [smem:$0x3FFB];
	_ =	sdelay $0x3  }
0x9c: {  	_ =	strace s18  }
0x9d: {  	s9 =	sld [smem:$0x3FFC];
	_ =	sdelay $0x3  }
0x9e: {  	_ =	strace s9  }
0x9f: {  	s9 =	sld [smem:$0x3FFD];
	_ =	sdelay $0x3  }
0xa0: {  	_ =	strace s9  }
0xa1: {  	_ =	strace $0x8FFFFFFF  }
0xa2: {  	s19 =	sld [smem:$0x3FDB];
	_ =	sdelay $0x1  }
0xa3: {  	s10 =	simm.s32 $_scs_section_size  }
0xa4: {  	s11 =	simm.s32 $_size__tile_overlayer_lowered;
	s12 =	simm.s32 $_tile_overlayer_lowered  }
0xa5: {  	s22 =	simm.s32 $0x1BFF;
	s21 =	sshll.u32 s12, $0x1;
	s9 =	sadd.s32 s10, s19  }
0xa6: {  	s13 =	simm.s32 $0x0;
	s20 =	sshll.u32 s11, $0x1;
	s11 =	sadd.s32 s21, s9  }
0xa7: {  	[timem:s13], [sflag:s22] =	dma.local [hbm:s11], s20  }
0xa8: {  	_ =	swait.ge [sflag:s22], s20  }
0xa9: {  	s10 =	ssub.s32 $0x0, s20;
	[sflag:s22] =	ssyncset.done $0x0  }
0xaa: {  	[sflag:s22] =	ssyncadd.s32 s10;
	_ =	sdelay $0x1  }
0xab: {  	s23 =	simm.s32 $0x1B8B  }
0xac: {  	_ =	swait.ge [sflag:s23], $0x1  }
0xad: {  	[sflag:s23] =	ssyncset.done $0x0  }
0xae: {  	s25 =	simm.s32 $0x1B8E;
	s24 =	sld [smem:$0x3FFE];
	[sflag:s23] =	ssyncadd.s32 $0xFFFFFFFF  }
0xaf: {  	s26 =	simm.s32 $execute0_lowered;
	[smem:$0x3FD2] =	sst s25  }
0xb0: {  	s11 =	sshll.u32 s26, $0x1;
	_ =	strace $0x80000046;
	[dreg:$0x1] =	wrdreg $0xFFFFFFFF  }
0xb1: {  	s28 =	simm.s32 $_size_execute0_lowered;
	s9 =	sadd.s32 s9, s11;
	[dreg:$0x0] =	wrdreg $0x0  }
0xb2: {  	s11 =	sshll.u32 s28, $0x1;
	[dreg:$0x2] =	wrdreg s9  }
0xb3: {  	[dreg:$0x3] =	wrdreg s11  }
0xb4: {  	[dreg:$0x4] =	wrdreg $0xC0  }
0xb5: {  	_ =	task [dreg:s13], $0x5FFFF  }
0xb6: {  	[dreg:$0x1] =	wrdreg $0xFFFFFFFF  }
0xb7: {  	[dreg:$0x0] =	wrdreg $0x60  }
0xb8: {  	[dreg:$0x2] =	wrdreg s2  }
0xb9: {  	[dreg:$0x3] =	wrdreg s15  }
0xba: {  	[dreg:$0x4] =	wrdreg s5  }
0xbb: {  	[dreg:$0x5] =	wrdreg s6  }
0xbc: {  	[dreg:$0x6] =	wrdreg s7  }
0xbd: {  	[dreg:$0x7] =	wrdreg s16  }
0xbe: {  	[dreg:$0x8] =	wrdreg s17  }
0xbf: {  	[dreg:$0x9] =	wrdreg s24  }
0xc0: {  	[dreg:$0xa] =	wrdreg $0x9  }
0xc1: {  	_ =	task.clear_ibuf [dreg:s13], $0xBFFFF;
	_ =	strace $0x90000046  }
0xc2: {  	s29 =	simm.s32 $0x9;
	_ =	strace $0x80000048  }
0xc3: {  	_ =	swait.ge [sflag:s29], $0x1  }
0xc4: {  	[sflag:s29] =	ssyncadd.s32 $0xFFFFFFFF  }
0xc5: {  	_ =	strace $0x90000048  }
0xc6: {  	_ =	sfence  }
0xc7: {  	s30 =	sld [smem:$0x0];
	_ =	sdelay $0x2  }
0xc8: {  	s31 =	sshll.u32 s1, $0xD;
	s1 =	sshrl.u32 s1, $0x2  }
0xc9: {  	s3 =	sand.u32 $0x4000, s31;
	s1 =	sadd.s32 s1, s30  }
0xca: {  	s0 =	sor.u32 s3, s0;
	s1 =	sshll.u32 s1, $0x11  }
0xcb: {  	s0 =	sor.u32 s1, s0  }
0xcc: {  	s0 =	sadd.s32 $0x8F2B, s0  }
0xcd: {  	[sflag:s0] =	ssyncadd.remote.s32 $0x1  }
0xce: {  	_ =	sfence.sel $0xFFFF  }
0xcf: {  	[dreg:$0x0] =	wrdreg $0xFFFFFFFF;
	(pc) =	sbr.abs _section_cstart, $3  }
0xd0: {  	[dreg:$0x1] =	wrdreg $0xFFFFFFFF  }
0xd1: {  	_ =	task.clear_ibuf [dreg:s13], $0x2FFFF;
	_ =	strace $0x9FFFFFFF  }
0xd2: {  	(tm) =	ssettm $0x7FFFFFFF  }
0xd3: {  	_ =	shalt  }
tec
execute0_lowered:
.L_overlay_start_1:
0x0: {  	(tag) =	ssettag $0x1  }
0x1: {  	v0 =	vimm.s32 $0x87654321;
	v1 =	vimm.s32 $0xFFEDCBA9;
	s2 =	rddreg [dreg:$0x0];
	vm0 =	vmmov $0x7fff  }
0x2: {  	s9 =	rddreg [dreg:$0x1];
	vm9 =	vcmask $0x1F00;
	vm1 =	vmmov $0x3fff;
	v8 =	vimm.s32 $0xCBA98765  }
0x3: {  	s15 =	rddreg [dreg:$0x5];
	vm4 =	vcmask $0x2F20;
	vm2 =	vmmov $0x1fff;
	v9 =	vimm.s32 $0xF0F0E0D  }
0x4: {  	s16 =	rddreg [dreg:$0x6];
	s5 =	simm.s32 $0x0;
	v19 =	vimm.s32 $0x0;
	v0 =	vunpack.c.l.s4.s8 v0;
	v1 =	vunpack.c.l.s4.s8 v1  }
0x5: {  	v10 =	vimm.s32 $0xFEDCBA98;
	vm3 =	vmmov $0xfff;
	[smem:$0x7FF] =	sst s5;
	v19 =	vsel vm0, $0xFFFFFFFF, v19  }
0x6: {  	s7 =	rddreg [dreg:$0x7];
	_ =	strace $0x80000047;
	[tilespmem:$0x1FF10] =	vst v19;
	v19 =	vimm.s32 $0x0;
	v2 =	vunpack.c.0.s8.s32 v0;
	v11 =	vunpack.c.0.s8.s32 v1  }
0x7: {  	v0 =	vimm.s32 $0x98765432;
	v1 =	vimm.s32 $0xFFFEDCBA;
	v19 =	vsel vm1, $0xFFFFFFFF, v19  }
0x8: {  	v3 =	vunpack.c.l.s4.s8 v0;
	v4 =	vunpack.c.l.s4.s8 v1;
	v1 =	vimm.s32 $0xA9876543  }
0x9: {  	vm5 =	vcmask $0x2320;
	[tilespmem:$0x1FF20] =	vst v19;
	v19 =	vimm.s32 $0x0;
	v6 =	vunpack.c.l.s4.s8 v1  }
0xa: {  	v5 =	vcombine.low v2, v11;
	v7 =	vunpack.c.0.s8.s32 v3;
	v12 =	vunpack.c.0.s8.s32 v4  }
0xb: {  	v8 =	vunpack.c.l.s4.s8 v8;
	v19 =	vsel vm2, $0xFFFFFFFF, v19;
	v4 =	vunpack.c.0.s8.s32 v6  }
0xc: {  	v3 =	vand.u32 $0xF, v5;
	v6 =	vimm.s32 $0xBA987654;
	v5 =	vcombine.low v7, v12  }
0xd: {  	[tilespmem:$0x1FF30] =	vst v19;
	v19 =	vimm.s32 $0x0;
	v6 =	vunpack.c.l.s4.s8 v6;
	v7 =	vand.u32 $0xF, v4  }
0xe: {  	v4 =	vand.u32 $0xF, v5;
	v5 =	vnsel vm9, $0xF, v7;
	v7 =	vimm.s32 $0xE0D0C0B  }
0xf: {  	v6 =	vunpack.c.0.s8.s32 v6;
	v13 =	vunpack.c.0.s8.s32 v7;
	v7 =	vimm.s32 $0xF0E0D0C  }
0x10: {  	v14 =	vunpack.c.0.s8.s32 v7;
	v7 =	vunpack.c.0.s8.s32 v8;
	v8 =	vimm.s32 $0xDCBA9876  }
0x11: {  	v16 =	vunpack.c.0.s8.s32 v9;
	v19 =	vsel vm3, $0xFFFFFFFF, v19;
	v8 =	vunpack.c.l.s4.s8 v8  }
0x12: {  	v9 =	vimm.s32 $0xEDCBA987;
	[tilespmem:$0x1FF40] =	vst v19;
	v19 =	vimm.s32 $0x0;
	v6 =	vand.u32 $0xF, v6  }
0x13: {  	v6 =	vnsel vm9, $0xF, v6;
	v7 =	vand.u32 $0xF, v7;
	v8 =	vunpack.c.0.s8.s32 v8  }
0x14: {  	v5 =	vsel vm4, v13, v5;
	v6 =	vsel vm4, v14, v6;
	v7 =	vnsel vm9, $0xF, v7  }
0x15: {  	v7 =	vsel vm4, v16, v7;
	vm4 =	vmmov $0x7ff;
	v8 =	vand.u32 $0xF, v8  }
0x16: {  	v10 =	vunpack.c.l.s4.s8 v10;
	v19 =	vsel vm4, $0xFFFFFFFF, v19;
	v8 =	vnsel vm9, $0xF, v8  }
0x17: {  	[tilespmem:$0x1FF50] =	vst v19;
	v19 =	vimm.s32 $0x0;
	v8 =	vsel vm5, $0xE, v8;
	vm5 =	vmmov $0x3ff  }
0x18: {  	v9 =	vunpack.c.l.s4.s8 v9;
	v19 =	vsel vm5, $0xFFFFFFFF, v19  }
0x19: {  	vm6 =	vmmov $0x1ff;
	v10 =	vunpack.c.0.s8.s32 v10;
	[tilespmem:$0x1FF60] =	vst v19;
	v19 =	vimm.s32 $0x0  }
0x1a: {  	vm7 =	vmmov $0xff;
	v9 =	vunpack.c.0.s8.s32 v9;
	v19 =	vsel vm6, $0xFFFFFFFF, v19  }
0x1b: {  	s0 =	srdreg.scid;
	s3 =	stileid.u32;
	vm8 =	vmmov $0x7f;
	v10 =	vand.u32 $0xF, v10;
	[tilespmem:$0x1FF70] =	vst v19;
	v19 =	vimm.s32 $0x0  }
0x1c: {  	s18 =	simm.s32 $0x1;
	s19 =	simm.s32 $0x5880;
	s20 =	simm.s32 $0x5C80;
	v11 =	vand.u32 $0xF, v11;
	v9 =	vand.u32 $0xF, v9;
	v19 =	vsel vm7, $0xFFFFFFFF, v19  }
0x1d: {  	s21 =	simm.s32 $0xA80;
	s22 =	simm.s32 $0x400;
	s23 =	simm.s32 $0xB00;
	v10 =	vnsel vm9, $0xF, v10;
	v11 =	vnsel vm9, $0xF, v11;
	[tilespmem:$0x1FF80] =	vst v19;
	v19 =	vimm.s32 $0x0  }
0x1e: {  	s24 =	simm.s32 $0xF80;
	s28 =	simm.s32 $0x5800;
	s29 =	simm.s32 $0x6080;
	v9 =	vnsel vm9, $0xF, v9;
	v12 =	vand.u32 $0xF, v12;
	v19 =	vsel vm8, $0xFFFFFFFF, v19  }
0x1f: {  	s30 =	simm.s32 $0x6700;
	s1 =	sand.u32 $0x1, s0;
	s25 =	sshll.u32 s3, $0x1;
	v12 =	vnsel vm9, $0xF, v12;
	vm9 =	vmmov $0x3f;
	[tilespmem:$0x1FF90] =	vst v19;
	v19 =	vimm.s32 $0x0  }
0x20: {  	s31 =	simm.s32 $0x0;
	s6 =	sshrl.u32 s3, $0x2;
	s4 =	sor.u32 s1, s25;
	v19 =	vsel vm9, $0xFFFFFFFF, v19  }
0x21: {  	vm10 =	vmmov $0x1f;
	s10 =	smul.u32 $0x2400, s6;
	s6 =	sshll.u32 s6, $0xA;
	s1 =	ssub.s32 $0x2, s1;
	[tilespmem:$0x1FFA0] =	vst v19;
	v19 =	vimm.s32 $0x0  }
0x22: {  	vm12 =	vcmask $0xF00;
	s25 =	simm.s32 $0x1400;
	s0 =	smul.u32 $0x620, s4;
	s8 =	sshll.u32 s4, $0x7;
	v19 =	vsel vm10, $0xFFFFFFFF, v19  }
0x23: {  	vm11 =	vmmov $0xf;
	vm13 =	vcmask $0x300;
	s11 =	smul.u32 $0x880, s4;
	s26 =	sshrl.u32 s1, $0x1;
	p0 =	seq.s32 s4, $0x1F;
	[tilespmem:$0x1FFB0] =	vst v19;
	v19 =	vimm.s32 $0x0  }
0x24: {  	s8 =	sand.u32 $0x380, s8;
	s1 =	ssub.s32 s1, s26;
	s26 =	simm.s32 $0x80;
	v13 =	vnsel vm12, $0xF, v13;
	v14 =	vnsel vm12, $0xF, v14;
	v19 =	vsel vm11, $0xFFFFFFFF, v19  }
0x25: {  	s10 =	sor.u32 s10, s8;
	s6 =	sor.u32 s6, s8;
	s11 =	sadd.s32 s11, s7;
	v16 =	vnsel vm12, $0xF, v16;
	vm12 =	vmmov $0x7;
	[tilespmem:$0x1FFC0] =	vst v19;
	v19 =	vimm.s32 $0x0  }
0x26: {  	v15 =	vimm.s32 $0xF;
	v0 =	vmov s0;
	s0 =	sshrl.u32 s0, $0x3;
	s8 =	sadd.s32 $0x17BC, s2;
	s17 =	smax.u32 s1, $0x1;
	v19 =	vsel vm12, $0xFFFFFFFF, v19  }
.Ltmp0:
0x27: {  	v17 =	vsel vm13, $0xE, v15;
	vm13 =	vmmov $0x3;
	s10 =	sshrl.u32 s10, $0x3;
	s6 =	sshrl.u32 s6, $0x3;
	[tilespmem:$0x1FFD0] =	vst v19;
	v19 =	vimm.s32 $0x0;
	(pc) =	sbr.rel .LBB2_1-.Ltmp0, $4  }
0x28: {  	s11 =	sadd.s32 $0x1E00, s11;
	s13 =	sadd.s32 s15, s0;
	s14 =	sadd.s32 s16, s0;
	v19 =	vsel vm13, $0xFFFFFFFF, v19  }
0x29: {  	vm14 =	vmmov $0x1;
	s15 =	sadd.s32 $0x17BC, s15;
	s16 =	sadd.s32 $0x17BC, s16;
	s10 =	sadd.s32 s10, s7;
	[tilespmem:$0x1FFE0] =	vst v19;
	v19 =	vimm.s32 $0x0  }
0x2a: {  	s12 =	sadd.s32 s6, s7;
	s6 =	sadd.s32 s2, s0;
	s7 =	sadd.s32 s9, s0;
	v19 =	vsel vm14, $0xFFFFFFFF, v19  }
0x2b: {  	v18 =	vimm.s32 $0x0;
	v1 =	vimm.s32 $0xFFFFFFFF;
	v2 =	vlaneseq.u32;
	s9 =	sadd.s32 $0x17BC, s9;
	s10 =	sadd.s32 $0xC00, s10;
	s12 =	sadd.s32 $0x12E00, s12;
	[tilespmem:$0x1FFF0] =	vst v19  }
.LBB2_10:
0x2c: {  	_ =	sdelay $0x3  }
0x2d: {  	[tilespmem:v19+s30+$0x0] =	vst.idx.msk $0xffff, v20  }
.LBB2_11:
0x2e: {  	s0 =	simm.s32 @p0 $0x0;
	s1 =	simm.s32 @p0 $0x6080  }
0x2f: {  	[hbm4b:s15+s0] =	stream.linear.scatter @p0 [tilespmem:s1], [sflag:$0x1], $0x570, $0x38;
	[tilespmem:$0x6D80] =	vst v63  }
0x30: {  	s1 =	simm.s32 @p0 $0x1  }
0x31: {  	_ =	swait.ge @p0 [sflag:s1], $0x570  }
0x32: {  	[sflag:s1] =	ssyncset.done @p0 $0x0  }
0x33: {  	s2 =	simm.s32 @p0 $0x6700;
	[sflag:s1] =	ssyncadd.s32 @p0 $0xFFFFFA90  }
0x34: {  	[hbm4b:s16+s0] =	stream.linear.scatter @p0 [tilespmem:s2], [sflag:$0x1], $0x570, $0x38;
	[tilespmem:$0x6D80] =	vst v63  }
0x35: {  	_ =	swait.ge @p0 [sflag:s1], $0x570  }
0x36: {  	[sflag:s1] =	ssyncset.done @p0 $0x0  }
0x37: {  	s0 =	simm.s32 @!p0 $0x0;
	[sflag:s1] =	ssyncadd.s32 @p0 $0xFFFFFA90;
	s1 =	simm.s32 @!p0 $0x6080  }
0x38: {  	[hbm4b:s13+s0] =	stream.linear.scatter @!p0 [tilespmem:s1], [sflag:$0x1], $0x620, $0x38;
	[tilespmem:$0x6D80] =	vst v63  }
0x39: {  	s1 =	simm.s32 @!p0 $0x1  }
0x3a: {  	s31 =	sadd.s32 $0x1, s31;
	_ =	swait.ge @!p0 [sflag:s1], $0x620  }
0x3b: {  	p1 =	sne.s32 s31, s17;
	[sflag:s1] =	ssyncset.done @!p0 $0x0  }
.Ltmp1:
0x3c: {  	s2 =	simm.s32 @!p0 $0x6700;
	[sflag:s1] =	ssyncadd.s32 @!p0 $0xFFFFF9E0;
	(pc) =	sbr.rel @!p1 .LBB2_12-.Ltmp1, $4  }
0x3d: {  	[hbm4b:s14+s0] =	stream.linear.scatter @!p0 [tilespmem:s2], [sflag:$0x1], $0x620, $0x38;
	[tilespmem:$0x6D80] =	vst v63  }
0x3e: {  	_ =	swait.ge @!p0 [sflag:s1], $0x620  }
0x3f: {  	[sflag:s1] =	ssyncset.done @!p0 $0x0  }
0x40: {  	[sflag:s1] =	ssyncadd.s32 @!p0 $0xFFFFF9E0  }
.LBB2_1:
0x41: {  	s0 =	rddreg [dreg:$0x4]  }
0x42: {  	[tilespmem:s5], [sflag:$0x1] =	stream.linear.gather [hbm4b:s0+s5], $0x400, $0x38;
	[tilespmem:$0x6D80] =	vst v63  }
0x43: {  	_ =	swait.ge [sflag:s18], $0x400  }
0x44: {  	[sflag:s18] =	ssyncset.done $0x0  }
0x45: {  	[sflag:s18] =	ssyncadd.s32 $0xFFFFFC00  }
0x46: {  	s3 =	rddreg [dreg:$0x2]  }
0x47: {  	[tilespmem:s19], [sflag:$0x1] =	stream.linear.gather [hbm4b:s3+s5], $0x400, $0x38;
	[tilespmem:$0x6D80] =	vst v63  }
0x48: {  	_ =	swait.ge [sflag:s18], $0x400  }
0x49: {  	[sflag:s18] =	ssyncset.done $0x0  }
0x4a: {  	[sflag:s18] =	ssyncadd.s32 $0xFFFFFC00  }
0x4b: {  	s4 =	rddreg [dreg:$0x3]  }
0x4c: {  	[tilespmem:s20], [sflag:$0x1] =	stream.linear.gather [hbm4b:s4+s5], $0x400, $0x38;
	[tilespmem:$0x6D80] =	vst v63  }
0x4d: {  	_ =	swait.ge [sflag:s18], $0x400  }
0x4e: {  	[sflag:s18] =	ssyncset.done $0x0  }
0x4f: {  	s1 =	simm.s32 @p0 $0x6080;
	s0 =	simm.s32 @p0 $0x0;
	[sflag:s18] =	ssyncadd.s32 $0xFFFFFC00  }
0x50: {  	[tilespmem:s1], [sflag:$0x1] =	stream.linear.gather @p0 [hbm4b:s8+s0], $0x570, $0x38;
	[tilespmem:$0x6D80] =	vst v63  }
0x51: {  	s1 =	simm.s32 @p0 $0x1  }
0x52: {  	_ =	swait.ge @p0 [sflag:s1], $0x570  }
0x53: {  	[sflag:s1] =	ssyncset.done @p0 $0x0  }
0x54: {  	s2 =	simm.s32 @p0 $0x6700;
	[sflag:s1] =	ssyncadd.s32 @p0 $0xFFFFFA90  }
0x55: {  	[tilespmem:s2], [sflag:$0x1] =	stream.linear.gather @p0 [hbm4b:s9+s0], $0x570, $0x38;
	[tilespmem:$0x6D80] =	vst v63  }
0x56: {  	_ =	swait.ge @p0 [sflag:s1], $0x570  }
0x57: {  	[sflag:s1] =	ssyncset.done @p0 $0x0  }
0x58: {  	s0 =	simm.s32 @!p0 $0x0;
	[sflag:s1] =	ssyncadd.s32 @p0 $0xFFFFFA90;
	s1 =	simm.s32 @!p0 $0x6080  }
0x59: {  	[tilespmem:s1], [sflag:$0x1] =	stream.linear.gather @!p0 [hbm4b:s6+s0], $0x620, $0x38;
	[tilespmem:$0x6D80] =	vst v63  }
0x5a: {  	s1 =	simm.s32 @!p0 $0x1  }
0x5b: {  	_ =	swait.ge @!p0 [sflag:s1], $0x620  }
0x5c: {  	[sflag:s1] =	ssyncset.done @!p0 $0x0  }
0x5d: {  	s2 =	simm.s32 @!p0 $0x6700;
	[sflag:s1] =	ssyncadd.s32 @!p0 $0xFFFFF9E0  }
0x5e: {  	[tilespmem:s2], [sflag:$0x1] =	stream.linear.gather @!p0 [hbm4b:s7+s0], $0x620, $0x38;
	[tilespmem:$0x6D80] =	vst v63  }
0x5f: {  	_ =	swait.ge @!p0 [sflag:s1], $0x620  }
0x60: {  	[sflag:s1] =	ssyncset.done @!p0 $0x0  }
0x61: {  	s0 =	simm.s32 $0x40;
	[sflag:s1] =	ssyncadd.s32 @!p0 $0xFFFFF9E0;
	s1 =	simm.s32 $0x0  }
.LBB2_2:
0x62: {  	p1 =	sne.s32 s0, $0x1840;
	[tilespmem:s1+$0x400] =	vst v1;
	s1 =	smov.u32 s0;
	s0 =	sadd.s32 $0x40, s0  }
.Ltmp2:
0x63: {  	(pc) =	sbr.rel @p1 .LBB2_2-.Ltmp2, $2  }
0x64: {  	_ =	sdelay $0x2  }
0x65: {  	s1 =	sshra.s32 s1, $0x2  }
0x66: {  	v19 =	vld [tilespmem:$0x1FF40];
	_ =	sdelay $0x4  }
0x67: {  	vm5 =	vnez.u8 v19;
	v19 =	vld [tilespmem:$0x1FF50];
	_ =	sdelay $0x4  }
0x68: {  	vm6 =	vnez.u8 v19;
	v19 =	vld [tilespmem:$0x1FF60];
	_ =	sdelay $0x4  }
0x69: {  	vm7 =	vnez.u8 v19;
	v19 =	vld [tilespmem:$0x1FF70];
	_ =	sdelay $0x4  }
0x6a: {  	vm8 =	vnez.u8 v19;
	v19 =	vld [tilespmem:$0x1FF80];
	_ =	sdelay $0x4  }
0x6b: {  	vm9 =	vnez.u8 v19;
	v19 =	vld [tilespmem:$0x1FF90];
	_ =	sdelay $0x4  }
0x6c: {  	vm10 =	vnez.u8 v19;
	v19 =	vld [tilespmem:$0x1FFA0];
	_ =	sdelay $0x4  }
0x6d: {  	vm11 =	vnez.u8 v19;
	v19 =	vld [tilespmem:$0x1FFB0];
	_ =	sdelay $0x4  }
0x6e: {  	vm12 =	vnez.u8 v19;
	v19 =	vld [tilespmem:$0x1FFC0];
	_ =	sdelay $0x4  }
0x6f: {  	vm13 =	vnez.u8 v19;
	v19 =	vld [tilespmem:$0x1FFD0];
	_ =	sdelay $0x4  }
0x70: {  	vm14 =	vnez.u8 v19;
	v19 =	vld [tilespmem:$0x1FFE0];
	_ =	sdelay $0x4  }
0x71: {  	vm2 =	vnez.u8 v19;
	v19 =	vld [tilespmem:$0x1FFF0];
	_ =	sdelay $0x4  }
0x72: {  	[tilespmem:s1+$0x400] =	vst v1;
	s4 =	simm.s32 $0x0;
	s0 =	simm.s32 $0x0;
	s1 =	simm.s32 $0x0;
	vm3 =	vnez.u8 v19  }
.LBB2_4:
0x73: {  	v19 =	vld [tilespmem:s0+$0x0];
	_ =	sdelay $0x4  }
0x74: {  	[tilespmem:$0xA80] =	vst v19  }
0x75: {  	v20 =	vld.idx.msk [tilespmem:v17+s21+$0x0], $0xffff  }
0x76: {  	v21 =	vld.idx.msk [tilespmem:v15+s21+$0x0], $0xffff  }
0x77: {  	v22 =	vld.idx.msk [tilespmem:v16+s21+$0x0], $0xffff  }
0x78: {  	v23 =	vld.idx.msk [tilespmem:v14+s21+$0x0], $0xffff  }
0x79: {  	v24 =	vld.idx.msk [tilespmem:v13+s21+$0x0], $0xffff  }
0x7a: {  	v25 =	vld.idx.msk [tilespmem:v12+s21+$0x0], $0xffff  }
0x7b: {  	vm15 =	veq.s32 v20, v19;
	vm0 =	veq.s32 v21, v19;
	v20 =	vld.idx.msk [tilespmem:v11+s21+$0x0], $0xffff  }
0x7c: {  	v57 =	vld.idx.msk [tilespmem:v10+s21+$0x0], $0xffff;
	vm1 =	veq.s32 v22, v19;
	vm15 =	vmand vm15, vm2;
	vm0 =	vmand vm0, vm3  }
0x7d: {  	v58 =	vld.idx.msk [tilespmem:v9+s21+$0x0], $0xffff;
	vm1 =	vmand vm1, vm14;
	vm0 =	vmor vm0, vm15;
	vm15 =	veq.s32 v23, v19  }
0x7e: {  	v59 =	vld.idx.msk [tilespmem:v8+s21+$0x0], $0xffff;
	vm0 =	vmor vm0, vm1;
	vm1 =	veq.s32 v24, v19;
	vm15 =	vmand vm15, vm13  }
0x7f: {  	vm0 =	vmor vm0, vm15;
	vm15 =	veq.s32 v25, v19;
	vm1 =	vmand vm1, vm12  }
0x80: {  	vm0 =	vmor vm0, vm1;
	vm1 =	veq.s32 v20, v19;
	v20 =	vld.idx.msk [tilespmem:v6+s21+$0x0], $0xffff;
	vm15 =	vmand vm15, vm11  }
0x81: {  	vm0 =	vmor vm0, vm15;
	vm15 =	veq.s32 v57, v19;
	vm1 =	vmand vm1, vm10  }
0x82: {  	vm0 =	vmor vm0, vm1;
	vm1 =	veq.s32 v58, v19;
	vm15 =	vmand vm15, vm9  }
0x83: {  	vm0 =	vmor vm0, vm15;
	vm15 =	veq.s32 v59, v19;
	vm1 =	vmand vm1, vm8  }
0x84: {  	vm0 =	vmor vm0, vm1;
	vm15 =	vmand vm15, vm7  }
0x85: {  	vm0 =	vmor vm0, vm15;
	vm15 =	veq.s32 v20, v19;
	v20 =	vld [tilespmem:$0x1FF30];
	_ =	sdelay $0x1  }
0x86: {  	v60 =	vld.idx.msk [tilespmem:v7+s21+$0x0], $0xffff;
	_ =	sdelay $0x1  }
0x87: {  	v61 =	vld.idx.msk [tilespmem:v5+s21+$0x0], $0xffff  }
0x88: {  	vm4 =	vnez.u8 v20;
	v20 =	vld [tilespmem:$0x1FF20];
	_ =	sdelay $0x1  }
0x89: {  	vm1 =	veq.s32 v60, v19  }
0x8a: {  	v62 =	vld.idx.msk [tilespmem:v4+s21+$0x0], $0xffff;
	vm1 =	vmand vm1, vm6  }
0x8b: {  	v63 =	vld.idx.msk [tilespmem:v3+s21+$0x0], $0xffff;
	vm0 =	vmor vm0, vm1;
	vm1 =	veq.s32 v61, v19  }
0x8c: {  	vm1 =	vmand vm1, vm4;
	vm4 =	vnez.u8 v20;
	v20 =	vld [tilespmem:$0x1FF10];
	_ =	sdelay $0x1  }
0x8d: {  	vm15 =	vmand vm15, vm5  }
0x8e: {  	vm0 =	vmor vm0, vm15  }
0x8f: {  	vm15 =	veq.s32 v62, v19;
	vm0 =	vmor vm0, vm1  }
0x90: {  	vm1 =	veq.s32 v63, v19;
	vm15 =	vmand vm15, vm4;
	vm4 =	vnez.u8 v20  }
0x91: {  	vm0 =	vmor vm0, vm15;
	vm1 =	vmand vm1, vm4  }
0x92: {  	v19 =	vsub.s32 v19, v0;
	vm0 =	vmor vm0, vm1  }
0x93: {  	vm15 =	vgt.s32 v19, $0x0;
	vm1 =	vlt.u32 v19, $0x620;
	vm0 =	vmneg vm0  }
0x94: {  	v19 =	vnsel vm15, $0x0, v19;
	vm0 =	vmand vm1, vm0  }
0x95: {  	p1 =	sne.s32 s1, $0x3F0;
	v19 =	vmin.u32 v19, $0x61F  }
.Ltmp3:
0x96: {  	_ = 	snop;
	(pc) =	sbr.rel @p1 .LBB2_4-.Ltmp3, $3  }
0x97: {  	_ =	sdelay $0x1  }
0x98: {  	v20 =	vor.u32 s1, v2  }
0x99: {  	s0 =	sadd.s32 $0x10, s0;
	s1 =	sadd.s32 $0x10, s1;
	[tilespmem:v19+s22+$0x0] =	vst.idx.msk vm0, v20  }
0x9a: {  	v19 =	vld [tilespmem:s4+$0x0];
	_ =	sdelay $0x4  }
0x9b: {  	v20 =	vsub.s32 v19, v0  }
0x9c: {  	vm0 =	vgt.s32 v20, $0x0  }
0x9d: {  	v21 =	vnsel vm0, $0x0, v20  }
0x9e: {  	v21 =	vmin.u32 v21, $0x61F;
	_ =	sdelay $0x4  }
0x9f: {  	v21 =	vld.idx.msk [tilespmem:v21+s22+$0x0], $0xffff;
	_ =	sdelay $0x3  }
0xa0: {  	v22 =	vor.u32 s4, v2  }
0xa1: {  	vm9 =	vlt.u32 v20, $0x620;
	vm1 =	veq.s32 v21, v22  }
0xa2: {  	vm0 =	vmand vm9, vm1  }
0xa3: {  	v20 =	vsel vm0, $0x1, v18  }
0xa4: {  	(xrf0) =	vadd.scan.msk.s32 $0xffff, v20;
	_ =	sdelay $0x2  }
0xa5: {  	v20 =	vmov s4  }
0xa6: {  	v20 =	vadd.s32 $0xFFFFFFFF, v20  }
0xa7: {  	v20 =	vbroadcast v20, $0x0  }
0xa8: {  	v60, _, _ =	vpop (xrf0)  }
0xa9: {  	v20 =	vadd.s32 v60, v20;
	v21 =	vxor.u32 $0x80000000, v60  }
0xaa: {  	vm10 =	vgt.s32 v20, $0x0;
	(xrf0) =	vmax.scan.msk.u32 $0xffff, v21  }
0xab: {  	v23 =	vnsel vm10, $0x0, v20  }
0xac: {  	v23 =	vmin.u32 v23, $0x40F  }
0xad: {  	v24 =	vand.u32 $0x7, v23  }
0xae: {  	vm11 =	vlt.s32 v20, $0x1;
	vm15 =	vne.s32 v24, $0x0  }
0xaf: {  	vm1 =	vmand vm11, vm15  }
0xb0: {  	v20 =	vshrl.u32 v23, $0x3;
	v61 =	vsel vm1, $0xFFFFFFFF, v18;
	v63, _, _ =	vpop (xrf0)  }
0xb1: {  	v20 =	vadd.s32 v61, v20;
	(v2sf) =	vpush v63, $0xF  }
0xb2: {  	v24 =	vshll.u32 v20, $0x3  }
0xb3: {  	v24 =	vsub.s32 v23, v24  }
0xb4: {  	v20 =	vshll.u32 v20, $0x7;
	v25 =	vand.u32 $0xFFFFFF80, v24  }
0xb5: {  	v62 =	vand.u32 $0x7F, v24;
	v20 =	vadd.s32 v20, v25  }
0xb6: {  	v20 =	vor.u32 v62, v20;
	_ =	sdelay $0x2  }
0xb7: {  	[tilespmem:v23+s23+$0x0] =	vst.idx.msk vm0, v22  }
0xb8: {  	[tilespmem:v23+s24+$0x0] =	vst.idx.msk vm0, v19  }
0xb9: {  	s0 =	simm.s32 $0x10;
	[tilespmem:v20+s25+$0x0] =	vst.idx.msk vm0, v19  }
0xba: {  	s1 =	simm.s32 $0x20;
	s2 =	simm.s32 $0x10;
	v19 =	vld [tilespmem:s0+$0x0]  }
.LBB2_6:
0xbb: {  	p1 =	sne.s32 s1, $0x3F0;
	_ =	sdelay $0x2  }
0xbc: {  	s3 =	spop (v2sf)  }
0xbd: {  	v20 =	vsub.s32 v19, v0;
	s3 =	sadd.s32 s3, s4  }
0xbe: {  	vm0 =	vgt.s32 v20, $0x0;
	s4 =	sadd.s32 $0x80000000, s3  }
0xbf: {  	v21 =	vnsel vm0, $0x0, v20;
	v22 =	vmov s4  }
0xc0: {  	v21 =	vmin.u32 v21, $0x61F;
	v22 =	vadd.s32 $0xFFFFFFFF, v22  }
0xc1: {  	v22 =	vbroadcast v22, $0x0;
	_ =	sdelay $0x3  }
0xc2: {  	v21 =	vld.idx.msk [tilespmem:v21+s22+$0x0], $0xffff;
	_ =	sdelay $0x4  }
0xc3: {  	v23 =	vor.u32 s0, v2;
	s0 =	smov.u32 s1  }
0xc4: {  	vm0 =	vlt.u32 v20, $0x620;
	vm1 =	veq.s32 v21, v23  }
0xc5: {  	vm15 =	vmand vm0, vm1  }
0xc6: {  	v20 =	vsel vm15, $0x1, v18  }
0xc7: {  	(xrf0) =	vadd.scan.msk.s32 $0xffff, v20;
	_ =	sdelay $0x5  }
0xc8: {  	v20, _, _ =	vpop (xrf0)  }
0xc9: {  	v21 =	vadd.s32 v20, v22;
	v20 =	vxor.u32 $0x80000000, v20  }
0xca: {  	vm0 =	vgt.s32 v21, $0x0;
	vm1 =	vlt.s32 v21, $0x1;
	(xrf0) =	vmax.scan.msk.u32 $0xffff, v20  }
0xcb: {  	v20 =	vnsel vm0, $0x0, v21  }
0xcc: {  	v20 =	vmin.u32 v20, $0x40F  }
0xcd: {  	v21 =	vshrl.u32 v20, $0x3;
	v22 =	vand.u32 $0x7, v20  }
0xce: {  	vm0 =	vne.s32 v22, $0x0  }
0xcf: {  	vm0 =	vmand vm1, vm0  }
0xd0: {  	v22 =	vsel vm0, $0xFFFFFFFF, v18;
	v24, _, _ =	vpop (xrf0)  }
0xd1: {  	[tilespmem:v20+s23+$0x0] =	vst.idx.msk vm15, v23;
	v21 =	vadd.s32 v22, v21;
	(v2sf) =	vpush v24, $0xF  }
0xd2: {  	[tilespmem:v20+s24+$0x0] =	vst.idx.msk vm15, v19;
	v22 =	vshll.u32 v21, $0x3;
	v21 =	vshll.u32 v21, $0x7  }
0xd3: {  	v20 =	vsub.s32 v20, v22  }
0xd4: {  	v22 =	vand.u32 $0xFFFFFF80, v20;
	v20 =	vand.u32 $0x7F, v20  }
0xd5: {  	v21 =	vadd.s32 v21, v22  }
0xd6: {  	v20 =	vor.u32 v20, v21;
	_ =	sdelay $0x1  }
.Ltmp4:
0xd7: {  	(pc) =	sbr.rel @p1 .LBB2_6-.Ltmp4, $3  }
0xd8: {  	_ =	sdelay $0x1  }
0xd9: {  	s2 =	sadd.s32 $0x10, s2;
	[tilespmem:v20+s25+$0x0] =	vst.idx.msk vm15, v19  }
0xda: {  	s1 =	sadd.s32 $0x10, s1;
	v19 =	vld [tilespmem:s2+$0x0]  }
0xdb: {  	_ =	sdelay $0x3  }
0xdc: {  	v20 =	vsub.s32 v19, v0  }
0xdd: {  	vm0 =	vgt.s32 v20, $0x0  }
0xde: {  	v21 =	vnsel vm0, $0x0, v20  }
0xdf: {  	v21 =	vmin.u32 v21, $0x61F;
	_ =	sdelay $0x4  }
0xe0: {  	v21 =	vld.idx.msk [tilespmem:v21+s22+$0x0], $0xffff;
	_ =	sdelay $0x3  }
0xe1: {  	v22 =	vor.u32 s0, v2  }
0xe2: {  	vm8 =	vlt.u32 v20, $0x620;
	vm1 =	veq.s32 v21, v22  }
0xe3: {  	vm15 =	vmand vm8, vm1  }
0xe4: {  	v20 =	vsel vm15, $0x1, v18  }
0xe5: {  	(xrf0) =	vadd.scan.msk.s32 $0xffff, v20;
	_ =	sdelay $0x5  }
0xe6: {  	v20, _, _ =	vpop (xrf0)  }
0xe7: {  	v55 =	vxor.u32 $0x80000000, v20  }
0xe8: {  	(xrf0) =	vmax.scan.msk.u32 $0xffff, v55;
	_ =	sdelay $0x5  }
0xe9: {  	v21, _, _ =	vpop (xrf0)  }
0xea: {  	(v2sf) =	vpush v21, $0xF;
	_ =	sdelay $0x1  }
0xeb: {  	s3 =	spop (v2sf)  }
0xec: {  	s0 =	sadd.s32 s3, s4  }
0xed: {  	s0 =	sadd.s32 $0x80000000, s0  }
0xee: {  	v56 =	vmov s0  }
0xef: {  	v21 =	vadd.s32 $0xFFFFFFFF, v56  }
0xf0: {  	v21 =	vbroadcast v21, $0x0;
	_ =	sdelay $0x1  }
0xf1: {  	v20 =	vadd.s32 v20, v21  }
0xf2: {  	vm9 =	vgt.s32 v20, $0x0  }
0xf3: {  	v21 =	vnsel vm9, $0x0, v20  }
0xf4: {  	v21 =	vmin.u32 v21, $0x40F  }
0xf5: {  	v23 =	vand.u32 $0x7, v21  }
0xf6: {  	vm10 =	vlt.s32 v20, $0x1;
	vm11 =	vne.s32 v23, $0x0  }
0xf7: {  	vm0 =	vmand vm10, vm11;
	s1 =	spop (v2sf)  }
0xf8: {  	v20 =	vshrl.u32 v21, $0x3;
	v57 =	vsel vm0, $0xFFFFFFFF, v18;
	s0 =	sadd.s32 s1, s0  }
0xf9: {  	v20 =	vadd.s32 v57, v20;
	s2 =	sadd.s32 $0x80000000, s0  }
0xfa: {  	v23 =	vshll.u32 v20, $0x3;
	s0 =	sadd.s32 $0xFFFFFFFF, s2;
	v24 =	vadd.s32 s2, v2  }
0xfb: {  	v23 =	vsub.s32 v21, v23;
	p1 =	sgt.s32 s0, $0x0;
	vm12 =	vgt.s32 v24, $0x0  }
0xfc: {  	v20 =	vshll.u32 v20, $0x7;
	v25 =	vand.u32 $0xFFFFFF80, v23;
	s0 =	simm.s32 @!p1 $0x0;
	v26 =	vnsel vm12, $0x0, v24  }
0xfd: {  	v23 =	vand.u32 $0x7F, v23;
	v20 =	vadd.s32 v20, v25;
	s0 =	smin.u32 s0, $0x40F;
	v58 =	vmin.u32 v26, $0x40F  }
0xfe: {  	v20 =	vor.u32 v23, v20;
	v59 =	vmov s0;
	v26 =	vand.u32 $0x7, v58  }
0xff: {  	vm13 =	vlt.s32 v24, $0x1;
	v23 =	vbroadcast v59, $0x0;
	vm14 =	vne.s32 v26, $0x0  }
0x100: {  	vm0 =	vmand vm13, vm14  }
0x101: {  	v60 =	vshrl.u32 v58, $0x3;
	v61 =	vsel vm0, $0xFFFFFFFF, v18  }
0x102: {  	[tilespmem:v21+s23+$0x0] =	vst.idx.msk vm15, v22;
	v62 =	vadd.s32 v61, v60  }
0x103: {  	[tilespmem:v21+s24+$0x0] =	vst.idx.msk vm15, v19;
	v63 =	vshll.u32 v62, $0x3  }
0x104: {  	[tilespmem:v20+s25+$0x0] =	vst.idx.msk vm15, v19;
	s0 =	simm.s32 $0xB00;
	v19 =	vsub.s32 v58, v63  }
0x105: {  	s1 =	simm.s32 $0xF80;
	v22 =	vshll.u32 v62, $0x7;
	v20 =	vld.idx.msk [tilespmem:v23+s0+$0x0], $0xffff;
	v21 =	vand.u32 $0xFFFFFF80, v19  }
0x106: {  	v23 =	vld.idx.msk [tilespmem:v23+s1+$0x0], $0xffff;
	v19 =	vand.u32 $0x7F, v19;
	v21 =	vadd.s32 v22, v21  }
0x107: {  	v19 =	vor.u32 v19, v21;
	_ =	sdelay $0x2  }
0x108: {  	[tilespmem:v58+s0+$0x0] =	vst.idx.msk $0xffff, v20  }
0x109: {  	v20 =	vmov s2;
	s2 =	sadd.s32 $0xF, s2;
	[tilespmem:v58+s1+$0x0] =	vst.idx.msk $0xffff, v23  }
0x10a: {  	s3 =	sand.u32 $0xF, s2;
	s4 =	sshra.s32 s2, $0x1F;
	[tilespmem:v19+s25+$0x0] =	vst.idx.msk $0xffff, v23  }
0x10b: {  	p2 =	slt.s32 s2, $0x1;
	p6 =	sne.s32 s3, $0x0;
	s3 =	sshrl.u32 s4, $0x1C;
	[tilespmem:$0x5800] =	vst v20  }
0x10c: {  	[hbm4b:s10+s26] =	stream.strided.scatter [tilespmem:s0], [sflag:$0x1], $0x480, s22, s26, $0x38;
	[tilespmem:$0x6D80] =	vst v63  }
0x10d: {  	p1 =	por !p2, !p6;
	s2 =	sadd.s32 s3, s2;
	_ =	swait.ge [sflag:s18], $0x480  }
0x10e: {  	s3 =	simm.s32 $0x1;
	p1 =	por !p1, !p1;
	[sflag:s18] =	ssyncset.done $0x0  }
0x10f: {  	s2 =	sshra.s32 s2, $0x4;
	s3 =	simm.s32 @!p1 $0x0;
	[sflag:s18] =	ssyncadd.s32 $0xFFFFFB80  }
0x110: {  	[hbm4b:s11+s5] =	stream.linear.scatter [tilespmem:s25], [sflag:$0x1], $0x4100, $0x38;
	[tilespmem:$0x6D80] =	vst v63  }
0x111: {  	s2 =	ssub.s32 s2, s3;
	_ =	swait.ge [sflag:s18], $0x4100  }
0x112: {  	p1 =	slt.s32 s2, $0x1;
	[sflag:s18] =	ssyncset.done $0x0  }
.Ltmp5:
0x113: {  	[sflag:s18] =	ssyncadd.s32 $0xFFFFBF00;
	(pc) =	sbr.rel @p1 .LBB2_11-.Ltmp5, $4  }
0x114: {  	[hbm4b:s12+s5] =	stream.linear.scatter [tilespmem:s28], [sflag:$0x1], $0x80, $0x38;
	[tilespmem:$0x6D80] =	vst v63  }
0x115: {  	_ =	swait.ge [sflag:s18], $0x80  }
0x116: {  	[sflag:s18] =	ssyncset.done $0x0  }
0x117: {  	[sflag:s18] =	ssyncadd.s32 $0xFFFFFF80  }
0x118: {  	v20 =	vld [tilespmem:s0+$0x0];
	_ =	sdelay $0x2  }
0x119: {  	v19 =	vld [tilespmem:s1+$0x0];
	_ =	sdelay $0x4  }
0x11a: {  	v19 =	vsub.s32 v19, v0;
	v21 =	vld.idx.msk [tilespmem:v20+s19+$0x0], $0xffff;
	_ =	sdelay $0x4  }
0x11b: {  	p1 =	sne.s32 s2, $0x1;
	[tilespmem:v19+s29+$0x0] =	vst.idx.msk $0xffff, v21  }
.Ltmp6:
0x11c: {  	v20 =	vld.idx.msk [tilespmem:v20+s20+$0x0], $0xffff;
	(pc) =	sbr.rel @!p1 .LBB2_10-.Ltmp6, $2  }
0x11d: {  	_ =	sdelay $0x2  }
0x11e: {  	s2 =	sadd.s32 $0xFFFFFFFF, s2  }
.LBB2_9:
0x11f: {  	p1 =	sne.s32 s2, $0x1;
	[tilespmem:v19+s30+$0x0] =	vst.idx.msk $0xffff, v20;
	s0 =	sadd.s32 $0x10, s0;
	s1 =	sadd.s32 $0x10, s1  }
0x120: {  	s2 =	sadd.s32 $0xFFFFFFFF, s2;
	v20 =	vld [tilespmem:s0+$0x0];
	_ =	sdelay $0x3  }
0x121: {  	v19 =	vld [tilespmem:s1+$0x0];
	_ =	sdelay $0x3  }
0x122: {  	v21 =	vld.idx.msk [tilespmem:v20+s19+$0x0], $0xffff  }
0x123: {  	v19 =	vsub.s32 v19, v0;
	_ =	sdelay $0x1  }
.Ltmp7:
0x124: {  	(pc) =	sbr.rel @p1 .LBB2_9-.Ltmp7, $3  }
0x125: {  	_ =	sdelay $0x1  }
0x126: {  	[tilespmem:v19+s29+$0x0] =	vst.idx.msk $0xffff, v21  }
0x127: {  	v20 =	vld.idx.msk [tilespmem:v20+s20+$0x0], $0xffff  }
.Ltmp8:
0x128: {  	_ = 	snop;
	(pc) =	sbr.rel .LBB2_10-.Ltmp8, $1  }
0x129: {  	_ =	sdelay $0x3  }
.LBB2_12:
0x12a: {  	_ =	sfence.sel $0x180000  }
0x12b: {  	[bflag:$0x0] =	sbarrier.arrive $0xFFFF  }
0x12c: {  	_ =	strace $0x90000047  }
0x12d: {  	s0 =	stileid.u32;
	[bflag:$0x2] =	sbarrier.arrive $0xFFFF  }
0x12e: {  	p0 =	sne.s32 s0, $0x0;
	s0 =	rddreg [dreg:$0x8]  }
0x12f: {  	s0 =	sadd.s32 @!p0 $0x100000, s0  }
0x130: {  	[sflag:s0] =	ssyncadd.tile.s32 @!p0 $0x1;
	_ =	shalt  }
.Lfunc_end2:
_tile_overlayer_lowered:
.L_overlay_start_2:
0x131: {  	(tag) =	ssettag $0x2  }
0x132: {  	s0 =	rddreg [dreg:$0x0];
	s2 =	stileid.u32  }
0x133: {  	s1 =	rddreg [dreg:$0x1];
	p0 =	sne.s32 s2, $0x0  }
0x134: {  	s3 =	rddreg [dreg:$0x2];
	[bflag:$0x3] =	sbarrier.arrive $0xFFFF;
	s2 =	simm.s32 @!p0 $0x1C01  }
0x135: {  	[timem:s3], [sflag:s2] =	dma.local @!p0 [hbm:s0], s1  }
0x136: {  	s0 =	simm.s32 @!p0 $0x1  }
0x137: {  	_ =	swait.ge @!p0 [sflag:s0], s1  }
0x138: {  	s1 =	ssub.s32 @!p0 $0x0, s1;
	[sflag:s0] =	ssyncset.done @!p0 $0x0  }
0x139: {  	[sflag:s0] =	ssyncadd.s32 @!p0 s1  }
0x13a: {  	[bflag:$0x3] =	sbarrier.arrive $0xFFFF  }
0x13b: {  	_ =	shalt  }

// kernel: kernel.7.cloned.1.call-start
scs
__scs_entry_jumppad:
0x0: {  	(pc) =	sbr.rel $0x88, $3  }
0x1: {  	(tag) =	ssettag $0x0;
	lr =	simm.s32 $0x1  }
0x2: {  	[smem:$0x3F9A] =	sst lr;
	_ =	strace $0xD0000000  }
0x3: {  	_ = 	snop  }
0x4: {  	_ = 	snop  }
0x5: {  	_ = 	snop  }
0x6: {  	_ = 	snop  }
0x7: {  	_ = 	snop  }
__scs_overlays_trampoline_lowered:
0x8: {  	[smem:$0x3FA9] =	sst s0  }
0x9: {  	[smem:$0x3FAA] =	sst s1  }
0xa: {  	[smem:$0x3FAB] =	sst s2  }
0xb: {  	[smem:$0x3FAC] =	sst s3  }
0xc: {  	[smem:$0x3FAD] =	sst s4  }
0xd: {  	[smem:$0x3FAE] =	sst s5  }
0xe: {  	[smem:$0x3FAF] =	sst s6  }
0xf: {  	[smem:$0x3FB0] =	sst s7  }
0x10: {  	[smem:$0x3FB1] =	sst s8  }
0x11: {  	[smem:$0x3FB2] =	sst s9;
	s0 =	simm.s32 @!p0 $0x0  }
0x12: {  	s1 =	sld [smem:$0x3F98];
	s0 =	simm.s32 @p0 $0x1  }
0x13: {  	[smem:$0x3FB3] =	sst s0;
	s0 =	simm.s32 @!p1 $0x0  }
0x14: {  	s2 =	sld [smem:$0x3F97];
	s0 =	simm.s32 @p1 $0x1  }
0x15: {  	[smem:$0x3FB4] =	sst s0;
	s0 =	simm.s32 @!p2 $0x0  }
0x16: {  	s3 =	sld [smem:$0x3FDB];
	s0 =	simm.s32 @p2 $0x1  }
0x17: {  	s4 =	simm.s32 $0x1BF5;
	[smem:$0x3FB6] =	sst s0  }
0x18: {  	s0 =	sld [smem:$0x3F99];
	_ =	swait.ge [sflag:s4], $0x0  }
0x19: {  	s7 =	sld [smem:$0x3F9A]  }
0x1a: {  	s8 =	sadd.s32 $0xFFFFE003, lr  }
0x1b: {  	s9 =	sadd.s32 $0xFFFFFEF7, lr;
	s5 =	simm.s32 $0xFFFFFFFF;
	p2 =	slt.u32 s8, $0xFFFFF086  }
0x1c: {  	p1 =	slt.u32 s9, $0xF7A;
	s5 =	simm.s32 @!p2 $0x0  }
0x1d: {  	s5 =	simm.s32 @p1 $0x1;
	p0 =	seq.s32 s7, s2  }
0x1e: {  	s7 =	smul.u32 @!p0 $0xF7A, s2;
	p2 =	seq.s32 @!p0 s5, $0x0  }
0x1f: {  	s9 =	smul.u32 $0xF7A, s1;
	s8 =	simm.s32 @!p0 $0x1BF5;
	p2 =	por !p2, p0  }
0x20: {  	[sflag:s8] =	ssyncset.s32 @!p0 $0xFFFFF086;
	s6 =	sadd.s32 @!p0 s3, s7;
	s7 =	simm.s32 @!p0 $0x108  }
0x21: {  	s3 =	sadd.s32 s3, s9;
	s6 =	sadd.s32 @!p0 $0x88, s6;
	s7 =	simm.s32 @p2 $0x1082  }
0x22: {  	[simem:s7], [sflag:s8] =	dma.local @!p0 [hbm:s6], $0xF7A  }
0x23: {  	s9 =	sor.u32 $0xD0000000, s2;
	s6 =	simm.s32 $0x108;
	_ =	swait.ge @!p0 [sflag:s8], $0x0  }
0x24: {  	s3 =	sadd.s32 $0x88, s3;
	s6 =	simm.s32 @!p1 $0x1082;
	[sflag:s4] =	ssyncset.s32 $0xFFFFF086  }
0x25: {  	[simem:s6], [sflag:s4] =	dma.local [hbm:s3], $0xF7A  }
0x26: {  	[smem:$0x3F9A] =	sst s1;
	(tag) =	ssettag s2;
	_ =	strace s9  }
0x27: {  	s1 =	sld [smem:$0x3FAA]  }
0x28: {  	s2 =	sld [smem:$0x3FAB]  }
0x29: {  	s4 =	sld [smem:$0x3FAD]  }
0x2a: {  	p0 =	seq.s32 s5, $0x0;
	s5 =	sld [smem:$0x3FAE]  }
0x2b: {  	s6 =	sld [smem:$0x3FAF]  }
0x2c: {  	s7 =	sld [smem:$0x3FB0]  }
0x2d: {  	s3 =	simm.s32 $0x108;
	s8 =	sld [smem:$0x3FB1]  }
0x2e: {  	s3 =	simm.s32 @!p0 $0x1082;
	s9 =	sld [smem:$0x3FB2]  }
0x2f: {  	lr =	sadd.s32 s0, s3;
	s0 =	sld [smem:$0x3FA9]  }
0x30: {  	s3 =	sld [smem:$0x3FAC]  }
0x31: {  	[smem:$0x3FB5] =	sst s10  }
0x32: {  	s10 =	sld [smem:$0x3FB3];
	_ =	sdelay $0x3  }
0x33: {  	p0 =	seq.s32 s10, $0x1;
	s10 =	sld [smem:$0x3FB5];
	_ =	sdelay $0x3  }
0x34: {  	[smem:$0x3FB5] =	sst s10  }
0x35: {  	s10 =	sld [smem:$0x3FB4];
	_ =	sdelay $0x3  }
0x36: {  	p1 =	seq.s32 s10, $0x1;
	s10 =	sld [smem:$0x3FB5];
	_ =	sdelay $0x3  }
0x37: {  	[smem:$0x3FB5] =	sst s10  }
0x38: {  	s10 =	sld [smem:$0x3FB6]  }
0x39: {  	_ = 	snop;
	(pc) =	sbr.ind lr, $3  }
0x3a: {  	_ = 	snop  }
0x3b: {  	_ = 	snop  }
0x3c: {  	p2 =	seq.s32 s10, $0x1;
	s10 =	sld [smem:$0x3FB5]  }
0x3d: {  	_ =	shalt  }
0x3e: {  	_ =	shalt  }
0x3f: {  	_ =	shalt  }
0x40: {  	_ =	shalt  }
0x41: {  	_ =	shalt  }
0x42: {  	_ =	shalt  }
0x43: {  	_ =	shalt  }
0x44: {  	_ =	shalt  }
0x45: {  	_ =	shalt  }
0x46: {  	_ =	shalt  }
0x47: {  	_ =	shalt  }
0x48: {  	_ =	shalt  }
0x49: {  	_ =	shalt  }
0x4a: {  	_ =	shalt  }
0x4b: {  	_ =	shalt  }
0x4c: {  	_ =	shalt  }
0x4d: {  	_ =	shalt  }
0x4e: {  	_ =	shalt  }
0x4f: {  	_ =	shalt  }
0x50: {  	_ =	shalt  }
0x51: {  	_ =	shalt  }
0x52: {  	_ =	shalt  }
0x53: {  	_ =	shalt  }
0x54: {  	_ =	shalt  }
0x55: {  	_ =	shalt  }
0x56: {  	_ =	shalt  }
0x57: {  	_ =	shalt  }
0x58: {  	_ =	shalt  }
0x59: {  	_ =	shalt  }
0x5a: {  	_ =	shalt  }
0x5b: {  	_ =	shalt  }
0x5c: {  	_ =	shalt  }
0x5d: {  	_ =	shalt  }
0x5e: {  	_ =	shalt  }
0x5f: {  	_ =	shalt  }
0x60: {  	_ =	shalt  }
0x61: {  	_ =	shalt  }
0x62: {  	_ =	shalt  }
0x63: {  	_ =	shalt  }
0x64: {  	_ =	shalt  }
0x65: {  	_ =	shalt  }
0x66: {  	_ =	shalt  }
0x67: {  	_ =	shalt  }
0x68: {  	_ =	shalt  }
0x69: {  	_ =	shalt  }
0x6a: {  	_ =	shalt  }
0x6b: {  	_ =	shalt  }
0x6c: {  	_ =	shalt  }
0x6d: {  	_ =	shalt  }
0x6e: {  	_ =	shalt  }
0x6f: {  	_ =	shalt  }
0x70: {  	_ =	shalt  }
0x71: {  	_ =	shalt  }
0x72: {  	_ =	shalt  }
0x73: {  	_ =	shalt  }
0x74: {  	_ =	shalt  }
0x75: {  	_ =	shalt  }
0x76: {  	_ =	shalt  }
0x77: {  	_ =	shalt  }
0x78: {  	_ =	shalt  }
0x79: {  	_ =	shalt  }
0x7a: {  	_ =	shalt  }
0x7b: {  	_ =	shalt  }
0x7c: {  	_ =	shalt  }
0x7d: {  	_ =	shalt  }
0x7e: {  	_ =	shalt  }
0x7f: {  	_ =	shalt  }
0x80: {  	_ =	shalt  }
0x81: {  	_ =	shalt  }
0x82: {  	_ =	shalt  }
0x83: {  	_ =	shalt  }
0x84: {  	_ =	shalt  }
0x85: {  	_ =	shalt  }
0x86: {  	_ =	shalt  }
0x87: {  	_ =	shalt  }
.Lfunc_end0:
.L_simem_size_0:
called_computation.1_lowered:
.L_overlay_start_0:
0x88: {  	s2 =	sld [smem:$0x3FD9]  }
0x89: {  	s3 =	sld [smem:$0x3FFE];
	_ =	sdelay $0x1  }
0x8a: {  	s1 =	srdreg.scid  }
0x8b: {  	s0 =	sand.u32 $0x1, s1  }
0x8c: {  	s14 =	sshll.u32 s0, $0xA;
	s2 =	sadd.s32 s3, s2  }
0x8d: {  	s2 =	sadd.s32 s2, s14  }
0x8e: {  	[smem:$0x3FC1] =	sst s2  }
0x8f: {  	_ = 	snop  }
0x90: {  	s2 =	sld [smem:$0x3FD0];
	_ =	sdelay $0x2  }
0x91: {  	s15 =	simm.s32 $0xA;
	s4 =	simm.s32 $0x10  }
0x92: {  	[smem:s4], [sflag:s15] =	dma.local [hbm:s2], $0x1  }
0x93: {  	_ =	swait.eq [sflag:s15], $0x1  }
0x94: {  	[sflag:s15] =	ssyncset.done $0x0  }
0x95: {  	[sflag:s15] =	ssyncadd.s32 $0xFFFFFFFF  }
0x96: {  	s16 =	sld [smem:$0x10];
	(tm) =	ssettm $0x1  }
0x97: {  	s17 =	sld [smem:$0x3FFB];
	_ =	sdelay $0x3  }
0x98: {  	_ =	strace s17  }
0x99: {  	s3 =	sld [smem:$0x3FFC];
	_ =	sdelay $0x3  }
0x9a: {  	_ =	strace s3  }
0x9b: {  	s3 =	sld [smem:$0x3FFD];
	_ =	sdelay $0x3  }
0x9c: {  	_ =	strace s3  }
0x9d: {  	_ =	strace $0x8FFFFFFF  }
0x9e: {  	s18 =	sld [smem:$0x3FDB];
	_ =	sdelay $0x1  }
0x9f: {  	s19 =	simm.s32 $_scs_section_size  }
0xa0: {  	s5 =	simm.s32 $_size__tile_overlayer_lowered;
	s6 =	simm.s32 $_tile_overlayer_lowered  }
0xa1: {  	s22 =	simm.s32 $0x1BFF;
	s21 =	sshll.u32 s6, $0x1;
	s3 =	sadd.s32 s19, s18  }
0xa2: {  	s7 =	simm.s32 $0x0;
	s20 =	sshll.u32 s5, $0x1;
	s5 =	sadd.s32 s21, s3  }
0xa3: {  	[timem:s7], [sflag:s22] =	dma.local [hbm:s5], s20  }
0xa4: {  	_ =	swait.ge [sflag:s22], s20  }
0xa5: {  	s4 =	ssub.s32 $0x0, s20;
	[sflag:s22] =	ssyncset.done $0x0  }
0xa6: {  	[sflag:s22] =	ssyncadd.s32 s4;
	_ =	sdelay $0x1  }
0xa7: {  	s23 =	simm.s32 $0x1B8B  }
0xa8: {  	_ =	swait.ge [sflag:s23], $0x1  }
0xa9: {  	[sflag:s23] =	ssyncset.done $0x0  }
0xaa: {  	s25 =	simm.s32 $0x1B8E;
	s24 =	sld [smem:$0x3FFE];
	[sflag:s23] =	ssyncadd.s32 $0xFFFFFFFF  }
0xab: {  	s26 =	simm.s32 $execute0_lowered;
	[smem:$0x3FD2] =	sst s25  }
0xac: {  	s5 =	sshll.u32 s26, $0x1;
	_ =	strace $0x80000049;
	[dreg:$0x1] =	wrdreg $0xFFFFFFFF  }
0xad: {  	s28 =	simm.s32 $_size_execute0_lowered;
	s3 =	sadd.s32 s3, s5;
	[dreg:$0x0] =	wrdreg $0x0  }
0xae: {  	s5 =	sshll.u32 s28, $0x1;
	[dreg:$0x2] =	wrdreg s3  }
0xaf: {  	[dreg:$0x3] =	wrdreg s5  }
0xb0: {  	[dreg:$0x4] =	wrdreg $0xC0  }
0xb1: {  	_ =	task [dreg:s7], $0x5FFFF  }
0xb2: {  	[dreg:$0x1] =	wrdreg $0xFFFFFFFF  }
0xb3: {  	[dreg:$0x0] =	wrdreg $0x60  }
0xb4: {  	[dreg:$0x2] =	wrdreg s16  }
0xb5: {  	[dreg:$0x3] =	wrdreg s24  }
0xb6: {  	[dreg:$0x4] =	wrdreg $0x9  }
0xb7: {  	_ =	task.clear_ibuf [dreg:s7], $0x5FFFF;
	_ =	strace $0x90000049  }
0xb8: {  	s29 =	simm.s32 $0x9;
	_ =	strace $0x8000004B  }
0xb9: {  	_ =	swait.ge [sflag:s29], $0x1  }
0xba: {  	[sflag:s29] =	ssyncadd.s32 $0xFFFFFFFF  }
0xbb: {  	_ =	strace $0x9000004B  }
0xbc: {  	_ =	sfence  }
0xbd: {  	s30 =	sld [smem:$0x0];
	_ =	sdelay $0x2  }
0xbe: {  	s31 =	sshll.u32 s1, $0xD;
	s1 =	sshrl.u32 s1, $0x2  }
0xbf: {  	s3 =	sand.u32 $0x4000, s31;
	s1 =	sadd.s32 s1, s30  }
0xc0: {  	s0 =	sor.u32 s3, s0;
	s1 =	sshll.u32 s1, $0x11  }
0xc1: {  	s0 =	sor.u32 s1, s0  }
0xc2: {  	s0 =	sadd.s32 $0x8F2B, s0  }
0xc3: {  	[sflag:s0] =	ssyncadd.remote.s32 $0x1  }
0xc4: {  	_ =	sfence.sel $0xFFFF  }
0xc5: {  	[dreg:$0x0] =	wrdreg $0xFFFFFFFF;
	(pc) =	sbr.abs _section_cstart, $3  }
0xc6: {  	[dreg:$0x1] =	wrdreg $0xFFFFFFFF  }
0xc7: {  	_ =	task.clear_ibuf [dreg:s7], $0x2FFFF;
	_ =	strace $0x9FFFFFFF  }
0xc8: {  	(tm) =	ssettm $0x7FFFFFFF  }
0xc9: {  	_ =	shalt  }
tec
execute0_lowered:
.L_overlay_start_1:
0x0: {  	(tag) =	ssettag $0x1  }
0x1: {  	s25 =	rddreg [dreg:$0x0]  }
0x2: {  	s0 =	srdreg.scid;
	s3 =	stileid.u32  }
0x3: {  	s1 =	rddreg [dreg:$0x1];
	s0 =	sand.u32 $0x1, s0;
	s2 =	sshll.u32 s3, $0x1  }
0x4: {  	s4 =	sshrl.u32 s3, $0x2;
	s3 =	simm.s32 $0x0;
	s23 =	sadd.s32 $0x13000, s1  }
0x5: {  	s8 =	sadd.s32 $0x100, s25;
	s9 =	sadd.s32 $0x200, s25;
	s10 =	sadd.s32 $0x300, s25  }
0x6: {  	s11 =	sadd.s32 $0x400, s25;
	s12 =	sadd.s32 $0x500, s25;
	s13 =	sadd.s32 $0x600, s25  }
0x7: {  	s14 =	sadd.s32 $0x13100, s1;
	s15 =	sadd.s32 $0x13200, s1;
	s16 =	sadd.s32 $0x13300, s1  }
0x8: {  	s17 =	sadd.s32 $0x13400, s1;
	s18 =	sadd.s32 $0x13500, s1;
	s19 =	sadd.s32 $0x13600, s1  }
0x9: {  	s20 =	sadd.s32 $0x13700, s1;
	s28 =	sadd.s32 $0x800, s25;
	s29 =	sadd.s32 $0x900, s25  }
0xa: {  	s30 =	sadd.s32 $0xA00, s25;
	s31 =	sadd.s32 $0xB00, s25;
	s2 =	sor.u32 s0, s2  }
0xb: {  	s6 =	smul.u32 $0x2400, s4;
	[smem:$0x7FF] =	sst s3;
	s4 =	sshll.u32 s4, $0xA  }
0xc: {  	s0 =	ssub.s32 $0x2, s0;
	s5 =	sshll.u32 s2, $0x7;
	_ =	strace $0x8000004A  }
0xd: {  	s2 =	smul.u32 $0x880, s2;
	s7 =	sshrl.u32 s0, $0x1;
	s5 =	sand.u32 $0x380, s5  }
0xe: {  	[dreg:$0x3] =	wrdreg s23;
	s0 =	ssub.s32 s0, s7;
	s6 =	sor.u32 s6, s5  }
0xf: {  	s4 =	sor.u32 s4, s5;
	s2 =	sadd.s32 s2, s1;
	s0 =	smax.u32 s0, $0x1  }
0x10: {  	s6 =	sshrl.u32 s6, $0x3;
	s4 =	sshrl.u32 s4, $0x3;
	s2 =	sadd.s32 $0x1E00, s2  }
.Ltmp0:
0x11: {  	[dreg:$0x7] =	wrdreg s0;
	s21 =	sadd.s32 s6, s1;
	(pc) =	sbr.rel .LBB2_1-.Ltmp0, $4  }
0x12: {  	s22 =	sadd.s32 s4, s1;
	[dreg:$0x5] =	wrdreg s2;
	s24 =	sadd.s32 $0xC00, s21  }
0x13: {  	v0 =	vlaneseq.u32;
	s23 =	sadd.s32 $0x13A00, s1;
	s26 =	sadd.s32 $0x12E00, s22;
	[dreg:$0x4] =	wrdreg s24  }
0x14: {  	v1 =	vshrl.u32 v0, $0x3;
	s21 =	sadd.s32 $0x13800, s1;
	s22 =	sadd.s32 $0x13900, s1;
	[dreg:$0x6] =	wrdreg s26  }
0x15: {  	vm0 =	vmmov $0xffff;
	v0 =	vand.u32 $0x7, v0;
	v1 =	vmul.u32 $0x8, v1;
	s24 =	sadd.s32 $0x13B00, s1;
	s26 =	sadd.s32 $0x700, s25;
	s1 =	simm.s32 $0x0  }
.LBB2_6:
0x16: {  	s1 =	rddreg [dreg:$0x8]  }
0x17: {  	s0 =	rddreg [dreg:$0x7];
	s1 =	sadd.s32 $0x1, s1  }
0x18: {  	p0 =	sne.s32 s1, s0  }
.Ltmp1:
0x19: {  	_ = 	snop;
	(pc) =	sbr.rel @!p0 .LBB2_7-.Ltmp1, $1  }
0x1a: {  	_ =	sdelay $0x3  }
.LBB2_1:
0x1b: {  	[dreg:$0x8] =	wrdreg s1  }
0x1c: {  	s0 =	rddreg [dreg:$0x4]  }
0x1d: {  	s5 =	simm.s32 $0x80;
	s2 =	simm.s32 $0x400;
	s6 =	simm.s32 $0x5  }
0x1e: {  	[tilespmem:s3], [sflag:$0x5] =	stream.strided.gather [hbm4b:s0+s5], $0x480, s2, s5, $0x38;
	[tilespmem:$0x10900] =	vst v63  }
0x1f: {  	_ =	swait.ge [sflag:s6], $0x480  }
0x20: {  	[sflag:s6] =	ssyncset.done $0x0  }
0x21: {  	s25 =	simm.s32 $0x480;
	s7 =	rddreg [dreg:$0x5];
	[sflag:s6] =	ssyncadd.s32 $0xFFFFFB80  }
0x22: {  	[tilespmem:s25], [sflag:$0x5] =	stream.linear.gather [hbm4b:s7+s3], $0x4100, $0x38;
	[tilespmem:$0x10900] =	vst v63  }
0x23: {  	_ =	swait.ge [sflag:s6], $0x4100  }
0x24: {  	[sflag:s6] =	ssyncset.done $0x0  }
0x25: {  	s5 =	simm.s32 $0x4880;
	s4 =	rddreg [dreg:$0x6];
	[sflag:s6] =	ssyncadd.s32 $0xFFFFBF00  }
0x26: {  	[tilespmem:s5], [sflag:$0x5] =	stream.linear.gather [hbm4b:s4+s3], $0x80, $0x38;
	[tilespmem:$0x10900] =	vst v63  }
0x27: {  	_ =	swait.ge [sflag:s6], $0x80  }
0x28: {  	[sflag:s6] =	ssyncset.done $0x0  }
0x29: {  	[sflag:s6] =	ssyncadd.s32 $0xFFFFFF80  }
0x2a: {  	v2 =	vld [tilespmem:$0x4880];
	_ =	sdelay $0x4  }
0x2b: {  	v2 =	vxor.u32 $0x80000000, v2  }
0x2c: {  	(xrf0) =	vmax.scan.msk.u32 $0xffff, v2;
	_ =	sdelay $0x5  }
0x2d: {  	v2, _, _ =	vpop (xrf0)  }
0x2e: {  	(v2sf) =	vpush v2, $0xF;
	_ =	sdelay $0xe  }
0x2f: {  	s6 =	spop (v2sf)  }
0x30: {  	s1 =	sadd.s32 $0x80000007, s6  }
0x31: {  	s7 =	sand.u32 $0x7, s1  }
0x32: {  	s25 =	sshra.s32 s1, $0x1F;
	p1 =	slt.s32 s1, $0x1;
	p0 =	sne.s32 s7, $0x0  }
0x33: {  	s2 =	sshrl.u32 s25, $0x1D;
	p0 =	por !p1, !p0  }
0x34: {  	s1 =	sadd.s32 s2, s1;
	s2 =	simm.s32 $0x1;
	p0 =	por !p0, !p0  }
0x35: {  	s1 =	sshra.s32 s1, $0x3;
	s2 =	simm.s32 @!p0 $0x0  }
0x36: {  	s1 =	ssub.s32 s1, s2  }
0x37: {  	p0 =	slt.s32 s1, $0x1  }
.Ltmp2:
0x38: {  	_ = 	snop;
	(pc) =	sbr.rel @p0 .LBB2_6-.Ltmp2, $1  }
0x39: {  	_ =	sdelay $0x3  }
0x3a: {  	v2 =	vld.msk [tilespmem:$0x0], $0xff;
	_ =	sdelay $0x4  }
0x3b: {  	v3 =	vshrl.u32 v2, $0x3  }
0x3c: {  	v3 =	vmul.u32 $0xC0, v3  }
0x3d: {  	v2 =	vand.u32 $0x7, v2  }
0x3e: {  	v2 =	vor.u32 v2, v3  }
0x3f: {  	v2 =	vperm.xlane v2, v0;
	_ =	sdelay $0x1  }
0x40: {  	v2 =	vadd.s32 v1, v2;
	_ =	sdelay $0x3  }
0x41: {  	s0 =	rddreg [dreg:$0x0];
	s2 =	simm.s32 $0x4900  }
0x42: {  	[tilespmem:s2], [sflag:$0x1] =	stream.indirect_vreg.gather [hbm4b:s0+s3], $0x80, v2, vm0, $0xb8;
	[tilespmem:$0x10900] =	vst v63  }
0x43: {  	s25 =	simm.s32 $0x5100  }
0x44: {  	[tilespmem:s25], [sflag:$0x1] =	stream.indirect_vreg.gather [hbm4b:s8+s3], $0x80, v2, vm0, $0xb8;
	[tilespmem:$0x10900] =	vst v63  }
0x45: {  	s4 =	simm.s32 $0x5900  }
0x46: {  	[tilespmem:s4], [sflag:$0x1] =	stream.indirect_vreg.gather [hbm4b:s9+s3], $0x80, v2, vm0, $0xb8;
	[tilespmem:$0x10900] =	vst v63  }
0x47: {  	s5 =	simm.s32 $0x6100  }
0x48: {  	[tilespmem:s5], [sflag:$0x1] =	stream.indirect_vreg.gather [hbm4b:s10+s3], $0x80, v2, vm0, $0xb8;
	[tilespmem:$0x10900] =	vst v63  }
0x49: {  	s6 =	simm.s32 $0x6900  }
0x4a: {  	[tilespmem:s6], [sflag:$0x1] =	stream.indirect_vreg.gather [hbm4b:s11+s3], $0x80, v2, vm0, $0xb8;
	[tilespmem:$0x10900] =	vst v63  }
0x4b: {  	s7 =	simm.s32 $0x7100  }
0x4c: {  	[tilespmem:s7], [sflag:$0x1] =	stream.indirect_vreg.gather [hbm4b:s12+s3], $0x80, v2, vm0, $0xb8;
	[tilespmem:$0x10900] =	vst v63  }
0x4d: {  	s25 =	simm.s32 $0x7900  }
0x4e: {  	[tilespmem:s25], [sflag:$0x1] =	stream.indirect_vreg.gather [hbm4b:s13+s3], $0x80, v2, vm0, $0xb8;
	[tilespmem:$0x10900] =	vst v63  }
0x4f: {  	s4 =	simm.s32 $0x8100  }
0x50: {  	[tilespmem:s4], [sflag:$0x1] =	stream.indirect_vreg.gather [hbm4b:s26+s3], $0x80, v2, vm0, $0xb8;
	[tilespmem:$0x10900] =	vst v63  }
0x51: {  	s5 =	simm.s32 $0x8900  }
0x52: {  	[tilespmem:s5], [sflag:$0x1] =	stream.indirect_vreg.gather [hbm4b:s28+s3], $0x80, v2, vm0, $0xb8;
	[tilespmem:$0x10900] =	vst v63  }
0x53: {  	s6 =	simm.s32 $0x9100  }
0x54: {  	[tilespmem:s6], [sflag:$0x1] =	stream.indirect_vreg.gather [hbm4b:s29+s3], $0x80, v2, vm0, $0xb8;
	[tilespmem:$0x10900] =	vst v63  }
0x55: {  	s7 =	simm.s32 $0x9900  }
0x56: {  	[tilespmem:s7], [sflag:$0x1] =	stream.indirect_vreg.gather [hbm4b:s30+s3], $0x80, v2, vm0, $0xb8;
	[tilespmem:$0x10900] =	vst v63  }
0x57: {  	p0 =	seq.s32 s1, $0x1;
	s25 =	simm.s32 $0xA100  }
0x58: {  	[tilespmem:s25], [sflag:$0x1] =	stream.indirect_vreg.gather [hbm4b:s31+s3], $0x80, v2, vm0, $0xb8;
	[tilespmem:$0x10900] =	vst v63  }
0x59: {  	v2 =	vld.msk @!p0 [tilespmem:$0x8], $0xff;
	_ =	sdelay $0x4  }
0x5a: {  	v3 =	vshrl.u32 @!p0 v2, $0x3  }
0x5b: {  	v3 =	vmul.u32 @!p0 $0xC0, v3  }
0x5c: {  	v4 =	vlaneseq.u32 @!p0;
	v2 =	vand.u32 @!p0 $0x7, v2  }
0x5d: {  	v2 =	vor.u32 @!p0 v2, v3;
	v3 =	vand.u32 @!p0 $0x7, v4;
	v4 =	vshrl.u32 @!p0 v4, $0x3  }
0x5e: {  	v2 =	vperm.xlane @!p0 v2, v3;
	v3 =	vmul.u32 @!p0 $0x8, v4;
	_ =	sdelay $0x1  }
0x5f: {  	v2 =	vadd.s32 @!p0 v3, v2;
	_ =	sdelay $0x3  }
0x60: {  	vm1 =	vmmov @!p0 $0xffff;
	s2 =	simm.s32 @!p0 $0x0;
	s5 =	simm.s32 @!p0 $0xA900  }
0x61: {  	[tilespmem:s5], [sflag:$0x2] =	stream.indirect_vreg.gather @!p0 [hbm4b:s0+s2], $0x80, v2, vm1, $0xb8;
	[tilespmem:$0x10900] =	vst v63  }
0x62: {  	s5 =	simm.s32 @!p0 $0xB100  }
0x63: {  	[tilespmem:s5], [sflag:$0x2] =	stream.indirect_vreg.gather @!p0 [hbm4b:s8+s2], $0x80, v2, vm1, $0xb8;
	[tilespmem:$0x10900] =	vst v63  }
0x64: {  	s5 =	simm.s32 @!p0 $0xB900  }
0x65: {  	[tilespmem:s5], [sflag:$0x2] =	stream.indirect_vreg.gather @!p0 [hbm4b:s9+s2], $0x80, v2, vm1, $0xb8;
	[tilespmem:$0x10900] =	vst v63  }
0x66: {  	s5 =	simm.s32 @!p0 $0xC100  }
0x67: {  	[tilespmem:s5], [sflag:$0x2] =	stream.indirect_vreg.gather @!p0 [hbm4b:s10+s2], $0x80, v2, vm1, $0xb8;
	[tilespmem:$0x10900] =	vst v63  }
0x68: {  	s5 =	simm.s32 @!p0 $0xC900  }
0x69: {  	[tilespmem:s5], [sflag:$0x2] =	stream.indirect_vreg.gather @!p0 [hbm4b:s11+s2], $0x80, v2, vm1, $0xb8;
	[tilespmem:$0x10900] =	vst v63  }
0x6a: {  	s5 =	simm.s32 @!p0 $0xD100  }
0x6b: {  	[tilespmem:s5], [sflag:$0x2] =	stream.indirect_vreg.gather @!p0 [hbm4b:s12+s2], $0x80, v2, vm1, $0xb8;
	[tilespmem:$0x10900] =	vst v63  }
0x6c: {  	s5 =	simm.s32 @!p0 $0xD900  }
0x6d: {  	[tilespmem:s5], [sflag:$0x2] =	stream.indirect_vreg.gather @!p0 [hbm4b:s13+s2], $0x80, v2, vm1, $0xb8;
	[tilespmem:$0x10900] =	vst v63  }
0x6e: {  	s5 =	simm.s32 @!p0 $0xE100  }
0x6f: {  	[tilespmem:s5], [sflag:$0x2] =	stream.indirect_vreg.gather @!p0 [hbm4b:s26+s2], $0x80, v2, vm1, $0xb8;
	[tilespmem:$0x10900] =	vst v63  }
0x70: {  	s5 =	simm.s32 @!p0 $0xE900  }
0x71: {  	[tilespmem:s5], [sflag:$0x2] =	stream.indirect_vreg.gather @!p0 [hbm4b:s28+s2], $0x80, v2, vm1, $0xb8;
	[tilespmem:$0x10900] =	vst v63  }
0x72: {  	s5 =	simm.s32 @!p0 $0xF100  }
0x73: {  	[tilespmem:s5], [sflag:$0x2] =	stream.indirect_vreg.gather @!p0 [hbm4b:s29+s2], $0x80, v2, vm1, $0xb8;
	[tilespmem:$0x10900] =	vst v63  }
.Ltmp3:
0x74: {  	s5 =	simm.s32 @!p0 $0xF900;
	(pc) =	sbr.rel .LBB2_3-.Ltmp3, $4  }
0x75: {  	[tilespmem:s5], [sflag:$0x2] =	stream.indirect_vreg.gather @!p0 [hbm4b:s30+s2], $0x80, v2, vm1, $0xb8;
	[tilespmem:$0x10900] =	vst v63  }
0x76: {  	s5 =	simm.s32 @!p0 $0x10100  }
0x77: {  	[tilespmem:s5], [sflag:$0x2] =	stream.indirect_vreg.gather @!p0 [hbm4b:s31+s2], $0x80, v2, vm1, $0xb8;
	[tilespmem:$0x10900] =	vst v63  }
0x78: {  	s6 =	simm.s32 $0x10;
	s25 =	simm.s32 $0x480;
	s5 =	simm.s32 $0x0  }
.LBB2_5:
0x79: {  	s5 =	sadd.s32 $0x1, s5  }
0x7a: {  	p0 =	sne.s32 s1, s5  }
.Ltmp4:
0x7b: {  	_ = 	snop;
	(pc) =	sbr.rel @!p0 .LBB2_6-.Ltmp4, $2  }
0x7c: {  	_ =	sdelay $0x2  }
0x7d: {  	s6 =	sadd.s32 $0x8, s6;
	s25 =	sadd.s32 $0x80, s25  }
.LBB2_3:
0x7e: {  	s2 =	sand.u32 $0x1, s5  }
0x7f: {  	p0 =	seq.s32 s2, $0x1  }
0x80: {  	s0 =	simm.s32 @!p0 $0x1  }
0x81: {  	_ =	swait.ge @!p0 [sflag:s0], $0x6000  }
0x82: {  	[sflag:s0] =	ssyncset.done @!p0 $0x0  }
0x83: {  	[sflag:s0] =	ssyncadd.s32 @!p0 $0xFFFFA000  }
0x84: {  	v2 =	vld.msk @!p0 [tilespmem:s25+$0x0], $0xff;
	_ =	sdelay $0x4  }
0x85: {  	v3 =	vshrl.u32 @!p0 v2, $0x3  }
0x86: {  	v3 =	vmul.u32 @!p0 $0xC0, v3  }
0x87: {  	v4 =	vlaneseq.u32 @!p0;
	v2 =	vand.u32 @!p0 $0x7, v2  }
0x88: {  	v2 =	vor.u32 @!p0 v2, v3;
	v3 =	vand.u32 @!p0 $0x7, v4;
	v4 =	vshrl.u32 @!p0 v4, $0x3  }
0x89: {  	v2 =	vperm.xlane @!p0 v2, v3;
	v3 =	vmul.u32 @!p0 $0x8, v4;
	_ =	sdelay $0x1  }
0x8a: {  	v2 =	vadd.s32 @!p0 v3, v2;
	_ =	sdelay $0x3  }
0x8b: {  	vm1 =	vmmov @!p0 $0xffff;
	s7 =	simm.s32 @!p0 $0x4900;
	s4 =	rddreg [dreg:$0x3];
	s0 =	simm.s32 @!p0 $0x0  }
0x8c: {  	[hbm4b:s4+s0] =	stream.indirect_vreg.scatter @!p0 [tilespmem:s7], [sflag:$0x3], $0x80, v2, vm1, $0xb8;
	[tilespmem:$0x10900] =	vst v63  }
0x8d: {  	s7 =	simm.s32 @!p0 $0x5100  }
0x8e: {  	[hbm4b:s14+s0] =	stream.indirect_vreg.scatter @!p0 [tilespmem:s7], [sflag:$0x3], $0x80, v2, vm1, $0xb8;
	[tilespmem:$0x10900] =	vst v63  }
0x8f: {  	s7 =	simm.s32 @!p0 $0x5900  }
0x90: {  	[hbm4b:s15+s0] =	stream.indirect_vreg.scatter @!p0 [tilespmem:s7], [sflag:$0x3], $0x80, v2, vm1, $0xb8;
	[tilespmem:$0x10900] =	vst v63  }
0x91: {  	s7 =	simm.s32 @!p0 $0x6100  }
0x92: {  	[hbm4b:s16+s0] =	stream.indirect_vreg.scatter @!p0 [tilespmem:s7], [sflag:$0x3], $0x80, v2, vm1, $0xb8;
	[tilespmem:$0x10900] =	vst v63  }
0x93: {  	s7 =	simm.s32 @!p0 $0x6900  }
0x94: {  	[hbm4b:s17+s0] =	stream.indirect_vreg.scatter @!p0 [tilespmem:s7], [sflag:$0x3], $0x80, v2, vm1, $0xb8;
	[tilespmem:$0x10900] =	vst v63  }
0x95: {  	s7 =	simm.s32 @!p0 $0x7100  }
0x96: {  	[hbm4b:s18+s0] =	stream.indirect_vreg.scatter @!p0 [tilespmem:s7], [sflag:$0x3], $0x80, v2, vm1, $0xb8;
	[tilespmem:$0x10900] =	vst v63  }
0x97: {  	s7 =	simm.s32 @!p0 $0x7900  }
0x98: {  	[hbm4b:s19+s0] =	stream.indirect_vreg.scatter @!p0 [tilespmem:s7], [sflag:$0x3], $0x80, v2, vm1, $0xb8;
	[tilespmem:$0x10900] =	vst v63  }
0x99: {  	s7 =	simm.s32 @!p0 $0x8100  }
0x9a: {  	[hbm4b:s20+s0] =	stream.indirect_vreg.scatter @!p0 [tilespmem:s7], [sflag:$0x3], $0x80, v2, vm1, $0xb8;
	[tilespmem:$0x10900] =	vst v63  }
0x9b: {  	s7 =	simm.s32 @!p0 $0x8900  }
0x9c: {  	[hbm4b:s21+s0] =	stream.indirect_vreg.scatter @!p0 [tilespmem:s7], [sflag:$0x3], $0x80, v2, vm1, $0xb8;
	[tilespmem:$0x10900] =	vst v63  }
0x9d: {  	s7 =	simm.s32 @!p0 $0x9100  }
0x9e: {  	[hbm4b:s22+s0] =	stream.indirect_vreg.scatter @!p0 [tilespmem:s7], [sflag:$0x3], $0x80, v2, vm1, $0xb8;
	[tilespmem:$0x10900] =	vst v63  }
0x9f: {  	s7 =	simm.s32 @!p0 $0x9900  }
0xa0: {  	[hbm4b:s23+s0] =	stream.indirect_vreg.scatter @!p0 [tilespmem:s7], [sflag:$0x3], $0x80, v2, vm1, $0xb8;
	[tilespmem:$0x10900] =	vst v63  }
0xa1: {  	s7 =	simm.s32 @!p0 $0xA100  }
0xa2: {  	[hbm4b:s24+s0] =	stream.indirect_vreg.scatter @!p0 [tilespmem:s7], [sflag:$0x3], $0x80, v2, vm1, $0xb8;
	[tilespmem:$0x10900] =	vst v63  }
0xa3: {  	s0 =	simm.s32 @!p0 $0x3  }
0xa4: {  	s7 =	sadd.s32 @!p0 $0x2, s5;
	_ =	swait.ge @!p0 [sflag:s0], $0x6000  }
0xa5: {  	p1 =	sge.s32 @!p0 s7, s1;
	[sflag:s0] =	ssyncset.done @!p0 $0x0  }
0xa6: {  	p1 =	por p1, p0;
	[sflag:s0] =	ssyncadd.s32 @!p0 $0xFFFFA000  }
0xa7: {  	v2 =	vld.msk @!p1 [tilespmem:s6+$0x0], $0xff;
	_ =	sdelay $0x4  }
0xa8: {  	v3 =	vshrl.u32 @!p1 v2, $0x3  }
0xa9: {  	v3 =	vmul.u32 @!p1 $0xC0, v3  }
0xaa: {  	v4 =	vlaneseq.u32 @!p1;
	v2 =	vand.u32 @!p1 $0x7, v2  }
0xab: {  	v2 =	vor.u32 @!p1 v2, v3;
	v3 =	vand.u32 @!p1 $0x7, v4;
	v4 =	vshrl.u32 @!p1 v4, $0x3  }
0xac: {  	v2 =	vperm.xlane @!p1 v2, v3;
	v3 =	vmul.u32 @!p1 $0x8, v4;
	_ =	sdelay $0x1  }
0xad: {  	v2 =	vadd.s32 @!p1 v3, v2;
	_ =	sdelay $0x3  }
0xae: {  	vm1 =	vmmov @!p1 $0xffff;
	s0 =	simm.s32 @!p1 $0x0;
	s7 =	simm.s32 @!p1 $0x4900;
	s4 =	rddreg [dreg:$0x0]  }
0xaf: {  	[tilespmem:s7], [sflag:$0x1] =	stream.indirect_vreg.gather @!p1 [hbm4b:s4+s0], $0x80, v2, vm1, $0xb8;
	[tilespmem:$0x10900] =	vst v63  }
0xb0: {  	s7 =	simm.s32 @!p1 $0x5100  }
0xb1: {  	[tilespmem:s7], [sflag:$0x1] =	stream.indirect_vreg.gather @!p1 [hbm4b:s8+s0], $0x80, v2, vm1, $0xb8;
	[tilespmem:$0x10900] =	vst v63  }
0xb2: {  	s7 =	simm.s32 @!p1 $0x5900  }
0xb3: {  	[tilespmem:s7], [sflag:$0x1] =	stream.indirect_vreg.gather @!p1 [hbm4b:s9+s0], $0x80, v2, vm1, $0xb8;
	[tilespmem:$0x10900] =	vst v63  }
0xb4: {  	s7 =	simm.s32 @!p1 $0x6100  }
0xb5: {  	[tilespmem:s7], [sflag:$0x1] =	stream.indirect_vreg.gather @!p1 [hbm4b:s10+s0], $0x80, v2, vm1, $0xb8;
	[tilespmem:$0x10900] =	vst v63  }
0xb6: {  	s7 =	simm.s32 @!p1 $0x6900  }
0xb7: {  	[tilespmem:s7], [sflag:$0x1] =	stream.indirect_vreg.gather @!p1 [hbm4b:s11+s0], $0x80, v2, vm1, $0xb8;
	[tilespmem:$0x10900] =	vst v63  }
0xb8: {  	s7 =	simm.s32 @!p1 $0x7100  }
0xb9: {  	[tilespmem:s7], [sflag:$0x1] =	stream.indirect_vreg.gather @!p1 [hbm4b:s12+s0], $0x80, v2, vm1, $0xb8;
	[tilespmem:$0x10900] =	vst v63  }
0xba: {  	s7 =	simm.s32 @!p1 $0x7900  }
0xbb: {  	[tilespmem:s7], [sflag:$0x1] =	stream.indirect_vreg.gather @!p1 [hbm4b:s13+s0], $0x80, v2, vm1, $0xb8;
	[tilespmem:$0x10900] =	vst v63  }
0xbc: {  	s7 =	simm.s32 @!p1 $0x8100  }
0xbd: {  	[tilespmem:s7], [sflag:$0x1] =	stream.indirect_vreg.gather @!p1 [hbm4b:s26+s0], $0x80, v2, vm1, $0xb8;
	[tilespmem:$0x10900] =	vst v63  }
0xbe: {  	s7 =	simm.s32 @!p1 $0x8900  }
0xbf: {  	[tilespmem:s7], [sflag:$0x1] =	stream.indirect_vreg.gather @!p1 [hbm4b:s28+s0], $0x80, v2, vm1, $0xb8;
	[tilespmem:$0x10900] =	vst v63  }
0xc0: {  	s7 =	simm.s32 @!p1 $0x9100  }
0xc1: {  	[tilespmem:s7], [sflag:$0x1] =	stream.indirect_vreg.gather @!p1 [hbm4b:s29+s0], $0x80, v2, vm1, $0xb8;
	[tilespmem:$0x10900] =	vst v63  }
0xc2: {  	s7 =	simm.s32 @!p1 $0x9900  }
0xc3: {  	[tilespmem:s7], [sflag:$0x1] =	stream.indirect_vreg.gather @!p1 [hbm4b:s30+s0], $0x80, v2, vm1, $0xb8;
	[tilespmem:$0x10900] =	vst v63  }
0xc4: {  	s7 =	simm.s32 @!p1 $0xA100  }
0xc5: {  	[tilespmem:s7], [sflag:$0x1] =	stream.indirect_vreg.gather @!p1 [hbm4b:s31+s0], $0x80, v2, vm1, $0xb8;
	[tilespmem:$0x10900] =	vst v63  }
0xc6: {  	p1 =	seq.s32 @!p0 s2, $0x0  }
0xc7: {  	p0 =	por p0, !p1  }
.Ltmp5:
0xc8: {  	_ = 	snop;
	(pc) =	sbr.rel @!p0 .LBB2_5-.Ltmp5, $1  }
0xc9: {  	_ =	sdelay $0x3  }
0xca: {  	s0 =	simm.s32 $0x2  }
0xcb: {  	_ =	swait.ge [sflag:s0], $0x6000  }
0xcc: {  	[sflag:s0] =	ssyncset.done $0x0  }
0xcd: {  	[sflag:s0] =	ssyncadd.s32 $0xFFFFA000  }
0xce: {  	v2 =	vld.msk [tilespmem:s25+$0x0], $0xff;
	_ =	sdelay $0x4  }
0xcf: {  	v3 =	vshrl.u32 v2, $0x3  }
0xd0: {  	v3 =	vmul.u32 $0xC0, v3  }
0xd1: {  	v2 =	vand.u32 $0x7, v2  }
0xd2: {  	v2 =	vor.u32 v2, v3  }
0xd3: {  	v2 =	vperm.xlane v2, v0;
	_ =	sdelay $0x1  }
0xd4: {  	v2 =	vadd.s32 v1, v2;
	_ =	sdelay $0x3  }
0xd5: {  	s2 =	simm.s32 $0xA900;
	s4 =	rddreg [dreg:$0x3]  }
0xd6: {  	[hbm4b:s4+s3] =	stream.indirect_vreg.scatter [tilespmem:s2], [sflag:$0x4], $0x80, v2, vm0, $0xb8;
	[tilespmem:$0x10900] =	vst v63  }
0xd7: {  	s7 =	simm.s32 $0xB100  }
0xd8: {  	[hbm4b:s14+s3] =	stream.indirect_vreg.scatter [tilespmem:s7], [sflag:$0x4], $0x80, v2, vm0, $0xb8;
	[tilespmem:$0x10900] =	vst v63  }
0xd9: {  	s2 =	simm.s32 $0xB900  }
0xda: {  	[hbm4b:s15+s3] =	stream.indirect_vreg.scatter [tilespmem:s2], [sflag:$0x4], $0x80, v2, vm0, $0xb8;
	[tilespmem:$0x10900] =	vst v63  }
0xdb: {  	s4 =	simm.s32 $0xC100  }
0xdc: {  	[hbm4b:s16+s3] =	stream.indirect_vreg.scatter [tilespmem:s4], [sflag:$0x4], $0x80, v2, vm0, $0xb8;
	[tilespmem:$0x10900] =	vst v63  }
0xdd: {  	s7 =	simm.s32 $0xC900  }
0xde: {  	[hbm4b:s17+s3] =	stream.indirect_vreg.scatter [tilespmem:s7], [sflag:$0x4], $0x80, v2, vm0, $0xb8;
	[tilespmem:$0x10900] =	vst v63  }
0xdf: {  	s2 =	simm.s32 $0xD100  }
0xe0: {  	[hbm4b:s18+s3] =	stream.indirect_vreg.scatter [tilespmem:s2], [sflag:$0x4], $0x80, v2, vm0, $0xb8;
	[tilespmem:$0x10900] =	vst v63  }
0xe1: {  	s4 =	simm.s32 $0xD900  }
0xe2: {  	[hbm4b:s19+s3] =	stream.indirect_vreg.scatter [tilespmem:s4], [sflag:$0x4], $0x80, v2, vm0, $0xb8;
	[tilespmem:$0x10900] =	vst v63  }
0xe3: {  	s7 =	simm.s32 $0xE100  }
0xe4: {  	[hbm4b:s20+s3] =	stream.indirect_vreg.scatter [tilespmem:s7], [sflag:$0x4], $0x80, v2, vm0, $0xb8;
	[tilespmem:$0x10900] =	vst v63  }
0xe5: {  	s2 =	simm.s32 $0xE900  }
0xe6: {  	[hbm4b:s21+s3] =	stream.indirect_vreg.scatter [tilespmem:s2], [sflag:$0x4], $0x80, v2, vm0, $0xb8;
	[tilespmem:$0x10900] =	vst v63  }
0xe7: {  	s4 =	simm.s32 $0xF100  }
0xe8: {  	[hbm4b:s22+s3] =	stream.indirect_vreg.scatter [tilespmem:s4], [sflag:$0x4], $0x80, v2, vm0, $0xb8;
	[tilespmem:$0x10900] =	vst v63  }
0xe9: {  	s7 =	simm.s32 $0xF900  }
0xea: {  	[hbm4b:s23+s3] =	stream.indirect_vreg.scatter [tilespmem:s7], [sflag:$0x4], $0x80, v2, vm0, $0xb8;
	[tilespmem:$0x10900] =	vst v63  }
0xeb: {  	s2 =	simm.s32 $0x10100;
	s4 =	simm.s32 $0x4  }
0xec: {  	[hbm4b:s24+s3] =	stream.indirect_vreg.scatter [tilespmem:s2], [sflag:$0x4], $0x80, v2, vm0, $0xb8;
	[tilespmem:$0x10900] =	vst v63  }
0xed: {  	_ =	swait.ge [sflag:s4], $0x6000  }
0xee: {  	s7 =	sadd.s32 $0x2, s5;
	[sflag:s4] =	ssyncset.done $0x0  }
0xef: {  	p0 =	sge.s32 s7, s1;
	[sflag:s4] =	ssyncadd.s32 $0xFFFFA000  }
0xf0: {  	v2 =	vld.msk @!p0 [tilespmem:s6+$0x0], $0xff;
	_ =	sdelay $0x4  }
0xf1: {  	v3 =	vshrl.u32 @!p0 v2, $0x3  }
0xf2: {  	v3 =	vmul.u32 @!p0 $0xC0, v3  }
0xf3: {  	v4 =	vlaneseq.u32 @!p0;
	v2 =	vand.u32 @!p0 $0x7, v2  }
0xf4: {  	v2 =	vor.u32 @!p0 v2, v3;
	v3 =	vand.u32 @!p0 $0x7, v4;
	v4 =	vshrl.u32 @!p0 v4, $0x3  }
0xf5: {  	v2 =	vperm.xlane @!p0 v2, v3;
	v3 =	vmul.u32 @!p0 $0x8, v4;
	_ =	sdelay $0x1  }
0xf6: {  	v2 =	vadd.s32 @!p0 v3, v2;
	_ =	sdelay $0x3  }
0xf7: {  	vm1 =	vmmov @!p0 $0xffff;
	s0 =	simm.s32 @!p0 $0x0;
	s2 =	simm.s32 @!p0 $0xA900;
	s4 =	rddreg [dreg:$0x0]  }
0xf8: {  	[tilespmem:s2], [sflag:$0x2] =	stream.indirect_vreg.gather @!p0 [hbm4b:s4+s0], $0x80, v2, vm1, $0xb8;
	[tilespmem:$0x10900] =	vst v63  }
0xf9: {  	s2 =	simm.s32 @!p0 $0xB100  }
0xfa: {  	[tilespmem:s2], [sflag:$0x2] =	stream.indirect_vreg.gather @!p0 [hbm4b:s8+s0], $0x80, v2, vm1, $0xb8;
	[tilespmem:$0x10900] =	vst v63  }
0xfb: {  	s2 =	simm.s32 @!p0 $0xB900  }
0xfc: {  	[tilespmem:s2], [sflag:$0x2] =	stream.indirect_vreg.gather @!p0 [hbm4b:s9+s0], $0x80, v2, vm1, $0xb8;
	[tilespmem:$0x10900] =	vst v63  }
0xfd: {  	s2 =	simm.s32 @!p0 $0xC100  }
0xfe: {  	[tilespmem:s2], [sflag:$0x2] =	stream.indirect_vreg.gather @!p0 [hbm4b:s10+s0], $0x80, v2, vm1, $0xb8;
	[tilespmem:$0x10900] =	vst v63  }
0xff: {  	s2 =	simm.s32 @!p0 $0xC900  }
0x100: {  	[tilespmem:s2], [sflag:$0x2] =	stream.indirect_vreg.gather @!p0 [hbm4b:s11+s0], $0x80, v2, vm1, $0xb8;
	[tilespmem:$0x10900] =	vst v63  }
0x101: {  	s2 =	simm.s32 @!p0 $0xD100  }
0x102: {  	[tilespmem:s2], [sflag:$0x2] =	stream.indirect_vreg.gather @!p0 [hbm4b:s12+s0], $0x80, v2, vm1, $0xb8;
	[tilespmem:$0x10900] =	vst v63  }
0x103: {  	s2 =	simm.s32 @!p0 $0xD900  }
0x104: {  	[tilespmem:s2], [sflag:$0x2] =	stream.indirect_vreg.gather @!p0 [hbm4b:s13+s0], $0x80, v2, vm1, $0xb8;
	[tilespmem:$0x10900] =	vst v63  }
0x105: {  	s2 =	simm.s32 @!p0 $0xE100  }
0x106: {  	[tilespmem:s2], [sflag:$0x2] =	stream.indirect_vreg.gather @!p0 [hbm4b:s26+s0], $0x80, v2, vm1, $0xb8;
	[tilespmem:$0x10900] =	vst v63  }
0x107: {  	s2 =	simm.s32 @!p0 $0xE900  }
0x108: {  	[tilespmem:s2], [sflag:$0x2] =	stream.indirect_vreg.gather @!p0 [hbm4b:s28+s0], $0x80, v2, vm1, $0xb8;
	[tilespmem:$0x10900] =	vst v63  }
0x109: {  	s2 =	simm.s32 @!p0 $0xF100  }
0x10a: {  	[tilespmem:s2], [sflag:$0x2] =	stream.indirect_vreg.gather @!p0 [hbm4b:s29+s0], $0x80, v2, vm1, $0xb8;
	[tilespmem:$0x10900] =	vst v63  }
.Ltmp6:
0x10b: {  	_ = 	snop;
	(pc) =	sbr.rel .LBB2_5-.Ltmp6, $4  }
0x10c: {  	s2 =	simm.s32 @!p0 $0xF900  }
0x10d: {  	[tilespmem:s2], [sflag:$0x2] =	stream.indirect_vreg.gather @!p0 [hbm4b:s30+s0], $0x80, v2, vm1, $0xb8;
	[tilespmem:$0x10900] =	vst v63  }
0x10e: {  	s2 =	simm.s32 @!p0 $0x10100  }
0x10f: {  	[tilespmem:s2], [sflag:$0x2] =	stream.indirect_vreg.gather @!p0 [hbm4b:s31+s0], $0x80, v2, vm1, $0xb8;
	[tilespmem:$0x10900] =	vst v63  }
.LBB2_7:
0x110: {  	_ =	sfence.sel $0x180000  }
0x111: {  	[bflag:$0x0] =	sbarrier.arrive $0xFFFF  }
0x112: {  	_ =	strace $0x9000004A  }
0x113: {  	s0 =	stileid.u32;
	[bflag:$0x2] =	sbarrier.arrive $0xFFFF  }
0x114: {  	p0 =	sne.s32 s0, $0x0;
	s0 =	rddreg [dreg:$0x2]  }
0x115: {  	s0 =	sadd.s32 @!p0 $0x100000, s0  }
0x116: {  	[sflag:s0] =	ssyncadd.tile.s32 @!p0 $0x1;
	_ =	shalt  }
.Lfunc_end2:
_tile_overlayer_lowered:
.L_overlay_start_2:
0x117: {  	(tag) =	ssettag $0x2  }
0x118: {  	s0 =	rddreg [dreg:$0x0];
	s2 =	stileid.u32  }
0x119: {  	s1 =	rddreg [dreg:$0x1];
	p0 =	sne.s32 s2, $0x0  }
0x11a: {  	s3 =	rddreg [dreg:$0x2];
	[bflag:$0x3] =	sbarrier.arrive $0xFFFF;
	s2 =	simm.s32 @!p0 $0x1C05  }
0x11b: {  	[timem:s3], [sflag:s2] =	dma.local @!p0 [hbm:s0], s1  }
0x11c: {  	s0 =	simm.s32 @!p0 $0x5  }
0x11d: {  	_ =	swait.ge @!p0 [sflag:s0], s1  }
0x11e: {  	s1 =	ssub.s32 @!p0 $0x0, s1;
	[sflag:s0] =	ssyncset.done @!p0 $0x0  }
0x11f: {  	[sflag:s0] =	ssyncadd.s32 @!p0 s1  }
0x120: {  	[bflag:$0x3] =	sbarrier.arrive $0xFFFF  }
0x121: {  	_ =	shalt  }

</sc_bundles>
